<compile_context>
chip_gen: v7x
topology: tpu7x:2x2x1
jax: 0.10.2.dev20260603
libtpu: 0.0.44.dev20260713+nightly
codegen_flags: <defaults>
</compile_context>

<pallas_src>
import functools

import jax
import jax.numpy as jnp
from jax import lax
from jax.experimental import pallas as pl
from jax.experimental.pallas import tpu as pltpu
from jax.experimental.pallas import tpu_sc as plsc

_VOCAB = 100000
_EMBED_DIM = 64
_N_TOKENS = 10
_BATCH = 32
_SEQ = 2048

_CHUNK = 128
_N_CHUNKS = _SEQ // _CHUNK
_GROUP = 4
_N_GROUPS = _N_CHUNKS // _GROUP


def _build_sc_kernel():
    mesh = plsc.VectorSubcoreMesh(core_axis_name="c", subcore_axis_name="s")

    @functools.partial(
        pl.kernel,
        mesh=mesh,
        compiler_params=pltpu.CompilerParams(use_tc_tiling_on_sc=False),
        out_type=jax.ShapeDtypeStruct((_BATCH * _SEQ, _EMBED_DIM), jnp.float32),
        scratch_types=[
            pltpu.VMEM((_N_CHUNKS, _CHUNK), jnp.int32),
            pltpu.VMEM((_GROUP * _CHUNK, _EMBED_DIM), jnp.float32),
            pltpu.VMEM((_GROUP * _CHUNK, _EMBED_DIM), jnp.float32),
            pltpu.VMEM((_N_TOKENS, _EMBED_DIM), jnp.float32),
            pltpu.SemaphoreType.DMA,
            pltpu.SemaphoreType.DMA,
            pltpu.SemaphoreType.DMA,
            pltpu.SemaphoreType.DMA,
        ],
    )
    def k(tok_hbm, table_hbm, learned_hbm, out_hbm,
          idx_v, rows0, rows1, learned_v, gsem0, gsem1, wsem0, wsem1):
        wid = lax.axis_index("s") * 2 + lax.axis_index("c")
        base = wid * _SEQ

        pltpu.sync_copy(tok_hbm.at[wid], idx_v)
        pltpu.sync_copy(learned_hbm, learned_v)

        bufs = (rows0, rows1)
        gsems = (gsem0, gsem1)
        wsems = (wsem0, wsem1)
        gcopies = [[None] * _GROUP, [None] * _GROUP]
        wcopy = [None, None]

        def fire(g, p):
            for t in range(_GROUP):
                gcopies[p][t] = pltpu.async_copy(
                    table_hbm.at[idx_v.at[g * _GROUP + t]],
                    bufs[p].at[pl.ds(t * _CHUNK, _CHUNK)],
                    gsems[p],
                )

        fire(0, 0)
        for g in range(_N_GROUPS):
            p = g % 2
            for t in range(_GROUP):
                gcopies[p][t].wait()
            if g + 1 < _N_GROUPS:
                if wcopy[1 - p] is not None:
                    wcopy[1 - p].wait()
                    wcopy[1 - p] = None
                fire(g + 1, 1 - p)
            if g == 0:
                for r in range(_N_TOKENS):
                    for c in range(_EMBED_DIM // 16):
                        bufs[p][r, pl.ds(c * 16, 16)] = learned_v[r, pl.ds(c * 16, 16)]
            wcopy[p] = pltpu.async_copy(
                bufs[p],
                out_hbm.at[pl.ds(base + g * _GROUP * _CHUNK, _GROUP * _CHUNK)],
                wsems[p],
            )
        for p in (0, 1):
            if wcopy[p] is not None:
                wcopy[p].wait()

    return k


_sc_kernel = _build_sc_kernel()


@jax.jit
def kernel(tokens, wte_weight, learned_embedding):
    tok = tokens.astype(jnp.int32).reshape(_BATCH, _N_CHUNKS, _CHUNK)
    out = _sc_kernel(tok, wte_weight, learned_embedding)
    return out.reshape(_BATCH, _SEQ, _EMBED_DIM)

# --- scband reference (transcript-rebuilt; emitter-appended) ---
"""Pipeline reference for scband-soft-embedding-12807592476766 (READ-ONLY COPY).

The authoritative reference and input builder live on the scoring server;
editing this copy changes nothing except your own understanding.
"""

import jax, jax.numpy as jnp
import numpy as np

VOCAB = 100000
EMBED_DIM = 64
N_TOKENS = 10
BATCH = 32
SEQ = 2048


def setup_inputs(seed: int = 0) -> dict:
    key = jax.random.key(seed)
    k_tok, k_wte, k_learned = jax.random.split(key, 3)
    tokens = jax.random.randint(k_tok, (BATCH, SEQ), 0, VOCAB, dtype=jnp.int64 if jax.config.jax_enable_x64 else jnp.int32)
    wte_weight = jax.random.normal(k_wte, (VOCAB, EMBED_DIM), dtype=jnp.float32)
    learned_embedding = jax.random.uniform(k_learned, (N_TOKENS, EMBED_DIM), dtype=jnp.float32, minval=-0.5, maxval=0.5)
    return {"tokens": tokens, "wte_weight": wte_weight, "learned_embedding": learned_embedding}


def reference(tokens, wte_weight, learned_embedding):
    # input_embedding = self.wte(tokens[:, self.n_tokens:])
    input_embedding = jnp.take(wte_weight, tokens[:, N_TOKENS:], axis=0)
    # learned_embedding = self.learned_embedding.repeat(B, 1, 1)
    b = input_embedding.shape[0]
    learned = jnp.broadcast_to(learned_embedding[None, :, :], (b, N_TOKENS, EMBED_DIM))
    # torch.cat([learned_embedding, input_embedding], 1)
    return jnp.concatenate([learned, input_embedding], axis=1)

if __name__ == "__main__":
    import jax
    _d = setup_inputs()
    print(jax.jit(kernel)(*tuple(_d.values())))

</pallas_src>

<mosaic_0001>
#map = affine_map<(d0, d1) -> (0, 0, 0)>
#map1 = affine_map<(d0, d1) -> (0, 0)>
module attributes {stable_mosaic.version = 14 : i64} {
  func.func @k(%arg0: i32, %arg1: i32, %arg2: memref<32x16x128xi32, #tpu.memory_space<hbm>>, %arg3: memref<100000x64xf32, #tpu.memory_space<hbm>>, %arg4: memref<10x64xf32, #tpu.memory_space<hbm>>, %arg5: memref<65536x64xf32, #tpu.memory_space<hbm>>, %arg6: memref<16x128xi32, #tpu.memory_space<vmem>>, %arg7: memref<512x64xf32, #tpu.memory_space<vmem>>, %arg8: memref<512x64xf32, #tpu.memory_space<vmem>>, %arg9: memref<10x64xf32, #tpu.memory_space<vmem>>, %arg10: memref<!tpu.dma_semaphore, #tpu.memory_space<semaphore_mem>>, %arg11: memref<!tpu.dma_semaphore, #tpu.memory_space<semaphore_mem>>, %arg12: memref<!tpu.dma_semaphore, #tpu.memory_space<semaphore_mem>>, %arg13: memref<!tpu.dma_semaphore, #tpu.memory_space<semaphore_mem>>) attributes {dimension_semantics = [#tpu.dimension_semantics<core_parallel>, #tpu.dimension_semantics<subcore_parallel>], iteration_bounds = array<i64: 2, 16>, scalar_prefetch = 0 : i64, scratch_operands = 8 : i64, tpu.core_type = #tpu.core_type<sc_vector_subcore>, window_params = [{transform_indices = #map}, {transform_indices = #map1}, {transform_indices = #map1}, {transform_indices = #map1}]} {
    %mul3A = arith.constant 2 : i32
    %mul3A_0 = arith.muli %arg1, %mul3A : i32
    %add3A = arith.addi %mul3A_0, %arg0 : i32
    %mul3A_1 = arith.constant 2048 : i32
    %mul3A_2 = arith.muli %add3A, %mul3A_1 : i32
    "tpu.region"() ({
      %run_scoped3A = tpu.sem_alloc : memref<!tpu.dma_semaphore, #tpu.memory_space<semaphore_mem>>
      %dma_start3A_799 = arith.constant 0 : i32
      %dma_start3A_800 = arith.constant 0 : i32
      %dma_start3A_801 = tpu.memref_slice %arg2[%add3A, %dma_start3A_799, %dma_start3A_800] : memref<32x16x128xi32, #tpu.memory_space<hbm>> -> memref<1x16x128xi32, #tpu.memory_space<hbm>>
      %dma_start3A_802 = tpu.memref_squeeze %dma_start3A_801 : memref<1x16x128xi32, #tpu.memory_space<hbm>> -> memref<16x128xi32, #tpu.memory_space<hbm>>
      %dma_start3A_803 = arith.constant 0 : i32
      %dma_start3A_804 = arith.constant 0 : i32
      %dma_start3A_805 = tpu.memref_slice %arg2[%add3A, %dma_start3A_803, %dma_start3A_804] : memref<32x16x128xi32, #tpu.memory_space<hbm>> -> memref<1x16x128xi32, #tpu.memory_space<hbm>>
      %dma_start3A_806 = tpu.memref_squeeze %dma_start3A_805 : memref<1x16x128xi32, #tpu.memory_space<hbm>> -> memref<16x128xi32, #tpu.memory_space<hbm>>
      tpu.enqueue_dma source(%dma_start3A_806 : memref<16x128xi32, #tpu.memory_space<hbm>>) target(%arg6 : memref<16x128xi32, #tpu.memory_space<vmem>>) target_semaphore(%run_scoped3A : memref<!tpu.dma_semaphore, #tpu.memory_space<semaphore_mem>>)
      %dma_wait3A_807 = arith.constant 0 : i32
      %dma_wait3A_808 = arith.constant 0 : i32
      %dma_wait3A_809 = tpu.memref_slice %arg2[%add3A, %dma_wait3A_807, %dma_wait3A_808] : memref<32x16x128xi32, #tpu.memory_space<hbm>> -> memref<1x16x128xi32, #tpu.memory_space<hbm>>
      %dma_wait3A_810 = tpu.memref_squeeze %dma_wait3A_809 : memref<1x16x128xi32, #tpu.memory_space<hbm>> -> memref<16x128xi32, #tpu.memory_space<hbm>>
      %dma_wait3A_811 = arith.constant 0 : i32
      %dma_wait3A_812 = arith.constant 0 : i32
      %dma_wait3A_813 = tpu.memref_slice %arg2[%add3A, %dma_wait3A_811, %dma_wait3A_812] : memref<32x16x128xi32, #tpu.memory_space<hbm>> -> memref<1x16x128xi32, #tpu.memory_space<hbm>>
      %dma_wait3A_814 = tpu.memref_squeeze %dma_wait3A_813 : memref<1x16x128xi32, #tpu.memory_space<hbm>> -> memref<16x128xi32, #tpu.memory_space<hbm>>
      tpu.wait_dma2 semaphore(%run_scoped3A : memref<!tpu.dma_semaphore, #tpu.memory_space<semaphore_mem>>) src(%dma_wait3A_814 : memref<16x128xi32, #tpu.memory_space<hbm>>) dst(%arg6 : memref<16x128xi32, #tpu.memory_space<vmem>>)
      tpu.yield
    }) : () -> ()
    "tpu.region"() ({
      %run_scoped3A = tpu.sem_alloc : memref<!tpu.dma_semaphore, #tpu.memory_space<semaphore_mem>>
      tpu.enqueue_dma source(%arg4 : memref<10x64xf32, #tpu.memory_space<hbm>>) target(%arg9 : memref<10x64xf32, #tpu.memory_space<vmem>>) target_semaphore(%run_scoped3A : memref<!tpu.dma_semaphore, #tpu.memory_space<semaphore_mem>>)
      tpu.wait_dma2 semaphore(%run_scoped3A : memref<!tpu.dma_semaphore, #tpu.memory_space<semaphore_mem>>) src(%arg4 : memref<10x64xf32, #tpu.memory_space<hbm>>) dst(%arg9 : memref<10x64xf32, #tpu.memory_space<vmem>>)
      tpu.yield
    }) : () -> ()
    %dma_start3A = arith.constant 0 : i32
    %dma_start3A_3 = arith.constant 0 : i32
    %dma_start3A_4 = arith.constant 0 : i32
    %dma_start3A_5 = tpu.memref_slice %arg7[%dma_start3A_3, %dma_start3A_4] : memref<512x64xf32, #tpu.memory_space<vmem>> -> memref<128x64xf32, #tpu.memory_space<vmem>>
    %dma_start3A_6 = arith.constant 0 : i32
    %dma_start3A_7 = tpu.memref_slice %arg6[%dma_start3A, %dma_start3A_6] : memref<16x128xi32, #tpu.memory_space<vmem>> -> memref<1x128xi32, #tpu.memory_space<vmem>>
    %dma_start3A_8 = tpu.memref_squeeze %dma_start3A_7 : memref<1x128xi32, #tpu.memory_space<vmem>> -> memref<128xi32, #tpu.memory_space<vmem>>
    %dma_start3A_9 = arith.constant 0 : i32
    %dma_start3A_10 = arith.constant 0 : i32
    %dma_start3A_11 = tpu.memref_slice %arg3[%dma_start3A_9, %dma_start3A_10] : memref<100000x64xf32, #tpu.memory_space<hbm>> -> memref<100000x64xf32, #tpu.memory_space<hbm>>
    tpu.enqueue_indirect_dma source(%dma_start3A_11 : memref<100000x64xf32, #tpu.memory_space<hbm>>) target(%dma_start3A_5 : memref<128x64xf32, #tpu.memory_space<vmem>>) offsets(%dma_start3A_8 : memref<128xi32, #tpu.memory_space<vmem>>) semaphore(%arg10 : memref<!tpu.dma_semaphore, #tpu.memory_space<semaphore_mem>>)
    %dma_start3A_12 = arith.constant 1 : i32
    %dma_start3A_13 = arith.constant 128 : i32
    %dma_start3A_14 = arith.constant 0 : i32
    %dma_start3A_15 = tpu.memref_slice %arg7[%dma_start3A_13, %dma_start3A_14] : memref<512x64xf32, #tpu.memory_space<vmem>> -> memref<128x64xf32, #tpu.memory_space<vmem>>
    %dma_start3A_16 = arith.constant 0 : i32
    %dma_start3A_17 = tpu.memref_slice %arg6[%dma_start3A_12, %dma_start3A_16] : memref<16x128xi32, #tpu.memory_space<vmem>> -> memref<1x128xi32, #tpu.memory_space<vmem>>
    %dma_start3A_18 = tpu.memref_squeeze %dma_start3A_17 : memref<1x128xi32, #tpu.memory_space<vmem>> -> memref<128xi32, #tpu.memory_space<vmem>>
    %dma_start3A_19 = arith.constant 0 : i32
    %dma_start3A_20 = arith.constant 0 : i32
    %dma_start3A_21 = tpu.memref_slice %arg3[%dma_start3A_19, %dma_start3A_20] : memref<100000x64xf32, #tpu.memory_space<hbm>> -> memref<100000x64xf32, #tpu.memory_space<hbm>>
    tpu.enqueue_indirect_dma source(%dma_start3A_21 : memref<100000x64xf32, #tpu.memory_space<hbm>>) target(%dma_start3A_15 : memref<128x64xf32, #tpu.memory_space<vmem>>) offsets(%dma_start3A_18 : memref<128xi32, #tpu.memory_space<vmem>>) semaphore(%arg10 : memref<!tpu.dma_semaphore, #tpu.memory_space<semaphore_mem>>)
    %dma_start3A_22 = arith.constant 2 : i32
    %dma_start3A_23 = arith.constant 256 : i32
    %dma_start3A_24 = arith.constant 0 : i32
    %dma_start3A_25 = tpu.memref_slice %arg7[%dma_start3A_23, %dma_start3A_24] : memref<512x64xf32, #tpu.memory_space<vmem>> -> memref<128x64xf32, #tpu.memory_space<vmem>>
    %dma_start3A_26 = arith.constant 0 : i32
    %dma_start3A_27 = tpu.memref_slice %arg6[%dma_start3A_22, %dma_start3A_26] : memref<16x128xi32, #tpu.memory_space<vmem>> -> memref<1x128xi32, #tpu.memory_space<vmem>>
    %dma_start3A_28 = tpu.memref_squeeze %dma_start3A_27 : memref<1x128xi32, #tpu.memory_space<vmem>> -> memref<128xi32, #tpu.memory_space<vmem>>
    %dma_start3A_29 = arith.constant 0 : i32
    %dma_start3A_30 = arith.constant 0 : i32
    %dma_start3A_31 = tpu.memref_slice %arg3[%dma_start3A_29, %dma_start3A_30] : memref<100000x64xf32, #tpu.memory_space<hbm>> -> memref<100000x64xf32, #tpu.memory_space<hbm>>
    tpu.enqueue_indirect_dma source(%dma_start3A_31 : memref<100000x64xf32, #tpu.memory_space<hbm>>) target(%dma_start3A_25 : memref<128x64xf32, #tpu.memory_space<vmem>>) offsets(%dma_start3A_28 : memref<128xi32, #tpu.memory_space<vmem>>) semaphore(%arg10 : memref<!tpu.dma_semaphore, #tpu.memory_space<semaphore_mem>>)
    %dma_start3A_32 = arith.constant 3 : i32
    %dma_start3A_33 = arith.constant 384 : i32
    %dma_start3A_34 = arith.constant 0 : i32
    %dma_start3A_35 = tpu.memref_slice %arg7[%dma_start3A_33, %dma_start3A_34] : memref<512x64xf32, #tpu.memory_space<vmem>> -> memref<128x64xf32, #tpu.memory_space<vmem>>
    %dma_start3A_36 = arith.constant 0 : i32
    %dma_start3A_37 = tpu.memref_slice %arg6[%dma_start3A_32, %dma_start3A_36] : memref<16x128xi32, #tpu.memory_space<vmem>> -> memref<1x128xi32, #tpu.memory_space<vmem>>
    %dma_start3A_38 = tpu.memref_squeeze %dma_start3A_37 : memref<1x128xi32, #tpu.memory_space<vmem>> -> memref<128xi32, #tpu.memory_space<vmem>>
    %dma_start3A_39 = arith.constant 0 : i32
    %dma_start3A_40 = arith.constant 0 : i32
    %dma_start3A_41 = tpu.memref_slice %arg3[%dma_start3A_39, %dma_start3A_40] : memref<100000x64xf32, #tpu.memory_space<hbm>> -> memref<100000x64xf32, #tpu.memory_space<hbm>>
    tpu.enqueue_indirect_dma source(%dma_start3A_41 : memref<100000x64xf32, #tpu.memory_space<hbm>>) target(%dma_start3A_35 : memref<128x64xf32, #tpu.memory_space<vmem>>) offsets(%dma_start3A_38 : memref<128xi32, #tpu.memory_space<vmem>>) semaphore(%arg10 : memref<!tpu.dma_semaphore, #tpu.memory_space<semaphore_mem>>)
    %dma_wait3A = arith.constant 0 : i32
    %dma_wait3A_42 = arith.constant 0 : i32
    %dma_wait3A_43 = arith.constant 0 : i32
    %dma_wait3A_44 = tpu.memref_slice %arg7[%dma_wait3A_42, %dma_wait3A_43] : memref<512x64xf32, #tpu.memory_space<vmem>> -> memref<128x64xf32, #tpu.memory_space<vmem>>
    %dma_wait3A_45 = arith.constant 0 : i32
    %dma_wait3A_46 = tpu.memref_slice %arg6[%dma_wait3A, %dma_wait3A_45] : memref<16x128xi32, #tpu.memory_space<vmem>> -> memref<1x128xi32, #tpu.memory_space<vmem>>
    %dma_wait3A_47 = tpu.memref_squeeze %dma_wait3A_46 : memref<1x128xi32, #tpu.memory_space<vmem>> -> memref<128xi32, #tpu.memory_space<vmem>>
    %dma_wait3A_48 = arith.constant 0 : i32
    %dma_wait3A_49 = arith.constant 0 : i32
    %dma_wait3A_50 = tpu.memref_slice %arg3[%dma_wait3A_48, %dma_wait3A_49] : memref<100000x64xf32, #tpu.memory_space<hbm>> -> memref<100000x64xf32, #tpu.memory_space<hbm>>
    tpu.wait_indirect_dma semaphore(%arg10 : memref<!tpu.dma_semaphore, #tpu.memory_space<semaphore_mem>>) src(%dma_wait3A_50 : memref<100000x64xf32, #tpu.memory_space<hbm>>) dst(%dma_wait3A_44 : memref<128x64xf32, #tpu.memory_space<vmem>>)
    %dma_wait3A_51 = arith.constant 1 : i32
    %dma_wait3A_52 = arith.constant 128 : i32
    %dma_wait3A_53 = arith.constant 0 : i32
    %dma_wait3A_54 = tpu.memref_slice %arg7[%dma_wait3A_52, %dma_wait3A_53] : memref<512x64xf32, #tpu.memory_space<vmem>> -> memref<128x64xf32, #tpu.memory_space<vmem>>
    %dma_wait3A_55 = arith.constant 0 : i32
    %dma_wait3A_56 = tpu.memref_slice %arg6[%dma_wait3A_51, %dma_wait3A_55] : memref<16x128xi32, #tpu.memory_space<vmem>> -> memref<1x128xi32, #tpu.memory_space<vmem>>
    %dma_wait3A_57 = tpu.memref_squeeze %dma_wait3A_56 : memref<1x128xi32, #tpu.memory_space<vmem>> -> memref<128xi32, #tpu.memory_space<vmem>>
    %dma_wait3A_58 = arith.constant 0 : i32
    %dma_wait3A_59 = arith.constant 0 : i32
    %dma_wait3A_60 = tpu.memref_slice %arg3[%dma_wait3A_58, %dma_wait3A_59] : memref<100000x64xf32, #tpu.memory_space<hbm>> -> memref<100000x64xf32, #tpu.memory_space<hbm>>
    tpu.wait_indirect_dma semaphore(%arg10 : memref<!tpu.dma_semaphore, #tpu.memory_space<semaphore_mem>>) src(%dma_wait3A_60 : memref<100000x64xf32, #tpu.memory_space<hbm>>) dst(%dma_wait3A_54 : memref<128x64xf32, #tpu.memory_space<vmem>>)
    %dma_wait3A_61 = arith.constant 2 : i32
    %dma_wait3A_62 = arith.constant 256 : i32
    %dma_wait3A_63 = arith.constant 0 : i32
    %dma_wait3A_64 = tpu.memref_slice %arg7[%dma_wait3A_62, %dma_wait3A_63] : memref<512x64xf32, #tpu.memory_space<vmem>> -> memref<128x64xf32, #tpu.memory_space<vmem>>
    %dma_wait3A_65 = arith.constant 0 : i32
    %dma_wait3A_66 = tpu.memref_slice %arg6[%dma_wait3A_61, %dma_wait3A_65] : memref<16x128xi32, #tpu.memory_space<vmem>> -> memref<1x128xi32, #tpu.memory_space<vmem>>
    %dma_wait3A_67 = tpu.memref_squeeze %dma_wait3A_66 : memref<1x128xi32, #tpu.memory_space<vmem>> -> memref<128xi32, #tpu.memory_space<vmem>>
    %dma_wait3A_68 = arith.constant 0 : i32
    %dma_wait3A_69 = arith.constant 0 : i32
    %dma_wait3A_70 = tpu.memref_slice %arg3[%dma_wait3A_68, %dma_wait3A_69] : memref<100000x64xf32, #tpu.memory_space<hbm>> -> memref<100000x64xf32, #tpu.memory_space<hbm>>
    tpu.wait_indirect_dma semaphore(%arg10 : memref<!tpu.dma_semaphore, #tpu.memory_space<semaphore_mem>>) src(%dma_wait3A_70 : memref<100000x64xf32, #tpu.memory_space<hbm>>) dst(%dma_wait3A_64 : memref<128x64xf32, #tpu.memory_space<vmem>>)
    %dma_wait3A_71 = arith.constant 3 : i32
    %dma_wait3A_72 = arith.constant 384 : i32
    %dma_wait3A_73 = arith.constant 0 : i32
    %dma_wait3A_74 = tpu.memref_slice %arg7[%dma_wait3A_72, %dma_wait3A_73] : memref<512x64xf32, #tpu.memory_space<vmem>> -> memref<128x64xf32, #tpu.memory_space<vmem>>
    %dma_wait3A_75 = arith.constant 0 : i32
    %dma_wait3A_76 = tpu.memref_slice %arg6[%dma_wait3A_71, %dma_wait3A_75] : memref<16x128xi32, #tpu.memory_space<vmem>> -> memref<1x128xi32, #tpu.memory_space<vmem>>
    %dma_wait3A_77 = tpu.memref_squeeze %dma_wait3A_76 : memref<1x128xi32, #tpu.memory_space<vmem>> -> memref<128xi32, #tpu.memory_space<vmem>>
    %dma_wait3A_78 = arith.constant 0 : i32
    %dma_wait3A_79 = arith.constant 0 : i32
    %dma_wait3A_80 = tpu.memref_slice %arg3[%dma_wait3A_78, %dma_wait3A_79] : memref<100000x64xf32, #tpu.memory_space<hbm>> -> memref<100000x64xf32, #tpu.memory_space<hbm>>
    tpu.wait_indirect_dma semaphore(%arg10 : memref<!tpu.dma_semaphore, #tpu.memory_space<semaphore_mem>>) src(%dma_wait3A_80 : memref<100000x64xf32, #tpu.memory_space<hbm>>) dst(%dma_wait3A_74 : memref<128x64xf32, #tpu.memory_space<vmem>>)
    %dma_start3A_81 = arith.constant 4 : i32
    %dma_start3A_82 = arith.constant 0 : i32
    %dma_start3A_83 = arith.constant 0 : i32
    %dma_start3A_84 = tpu.memref_slice %arg8[%dma_start3A_82, %dma_start3A_83] : memref<512x64xf32, #tpu.memory_space<vmem>> -> memref<128x64xf32, #tpu.memory_space<vmem>>
    %dma_start3A_85 = arith.constant 0 : i32
    %dma_start3A_86 = tpu.memref_slice %arg6[%dma_start3A_81, %dma_start3A_85] : memref<16x128xi32, #tpu.memory_space<vmem>> -> memref<1x128xi32, #tpu.memory_space<vmem>>
    %dma_start3A_87 = tpu.memref_squeeze %dma_start3A_86 : memref<1x128xi32, #tpu.memory_space<vmem>> -> memref<128xi32, #tpu.memory_space<vmem>>
    %dma_start3A_88 = arith.constant 0 : i32
    %dma_start3A_89 = arith.constant 0 : i32
    %dma_start3A_90 = tpu.memref_slice %arg3[%dma_start3A_88, %dma_start3A_89] : memref<100000x64xf32, #tpu.memory_space<hbm>> -> memref<100000x64xf32, #tpu.memory_space<hbm>>
    tpu.enqueue_indirect_dma source(%dma_start3A_90 : memref<100000x64xf32, #tpu.memory_space<hbm>>) target(%dma_start3A_84 : memref<128x64xf32, #tpu.memory_space<vmem>>) offsets(%dma_start3A_87 : memref<128xi32, #tpu.memory_space<vmem>>) semaphore(%arg11 : memref<!tpu.dma_semaphore, #tpu.memory_space<semaphore_mem>>)
    %dma_start3A_91 = arith.constant 5 : i32
    %dma_start3A_92 = arith.constant 128 : i32
    %dma_start3A_93 = arith.constant 0 : i32
    %dma_start3A_94 = tpu.memref_slice %arg8[%dma_start3A_92, %dma_start3A_93] : memref<512x64xf32, #tpu.memory_space<vmem>> -> memref<128x64xf32, #tpu.memory_space<vmem>>
    %dma_start3A_95 = arith.constant 0 : i32
    %dma_start3A_96 = tpu.memref_slice %arg6[%dma_start3A_91, %dma_start3A_95] : memref<16x128xi32, #tpu.memory_space<vmem>> -> memref<1x128xi32, #tpu.memory_space<vmem>>
    %dma_start3A_97 = tpu.memref_squeeze %dma_start3A_96 : memref<1x128xi32, #tpu.memory_space<vmem>> -> memref<128xi32, #tpu.memory_space<vmem>>
    %dma_start3A_98 = arith.constant 0 : i32
    %dma_start3A_99 = arith.constant 0 : i32
    %dma_start3A_100 = tpu.memref_slice %arg3[%dma_start3A_98, %dma_start3A_99] : memref<100000x64xf32, #tpu.memory_space<hbm>> -> memref<100000x64xf32, #tpu.memory_space<hbm>>
    tpu.enqueue_indirect_dma source(%dma_start3A_100 : memref<100000x64xf32, #tpu.memory_space<hbm>>) target(%dma_start3A_94 : memref<128x64xf32, #tpu.memory_space<vmem>>) offsets(%dma_start3A_97 : memref<128xi32, #tpu.memory_space<vmem>>) semaphore(%arg11 : memref<!tpu.dma_semaphore, #tpu.memory_space<semaphore_mem>>)
    %dma_start3A_101 = arith.constant 6 : i32
    %dma_start3A_102 = arith.constant 256 : i32
    %dma_start3A_103 = arith.constant 0 : i32
    %dma_start3A_104 = tpu.memref_slice %arg8[%dma_start3A_102, %dma_start3A_103] : memref<512x64xf32, #tpu.memory_space<vmem>> -> memref<128x64xf32, #tpu.memory_space<vmem>>
    %dma_start3A_105 = arith.constant 0 : i32
    %dma_start3A_106 = tpu.memref_slice %arg6[%dma_start3A_101, %dma_start3A_105] : memref<16x128xi32, #tpu.memory_space<vmem>> -> memref<1x128xi32, #tpu.memory_space<vmem>>
    %dma_start3A_107 = tpu.memref_squeeze %dma_start3A_106 : memref<1x128xi32, #tpu.memory_space<vmem>> -> memref<128xi32, #tpu.memory_space<vmem>>
    %dma_start3A_108 = arith.constant 0 : i32
    %dma_start3A_109 = arith.constant 0 : i32
    %dma_start3A_110 = tpu.memref_slice %arg3[%dma_start3A_108, %dma_start3A_109] : memref<100000x64xf32, #tpu.memory_space<hbm>> -> memref<100000x64xf32, #tpu.memory_space<hbm>>
    tpu.enqueue_indirect_dma source(%dma_start3A_110 : memref<100000x64xf32, #tpu.memory_space<hbm>>) target(%dma_start3A_104 : memref<128x64xf32, #tpu.memory_space<vmem>>) offsets(%dma_start3A_107 : memref<128xi32, #tpu.memory_space<vmem>>) semaphore(%arg11 : memref<!tpu.dma_semaphore, #tpu.memory_space<semaphore_mem>>)
    %dma_start3A_111 = arith.constant 7 : i32
    %dma_start3A_112 = arith.constant 384 : i32
    %dma_start3A_113 = arith.constant 0 : i32
    %dma_start3A_114 = tpu.memref_slice %arg8[%dma_start3A_112, %dma_start3A_113] : memref<512x64xf32, #tpu.memory_space<vmem>> -> memref<128x64xf32, #tpu.memory_space<vmem>>
    %dma_start3A_115 = arith.constant 0 : i32
    %dma_start3A_116 = tpu.memref_slice %arg6[%dma_start3A_111, %dma_start3A_115] : memref<16x128xi32, #tpu.memory_space<vmem>> -> memref<1x128xi32, #tpu.memory_space<vmem>>
    %dma_start3A_117 = tpu.memref_squeeze %dma_start3A_116 : memref<1x128xi32, #tpu.memory_space<vmem>> -> memref<128xi32, #tpu.memory_space<vmem>>
    %dma_start3A_118 = arith.constant 0 : i32
    %dma_start3A_119 = arith.constant 0 : i32
    %dma_start3A_120 = tpu.memref_slice %arg3[%dma_start3A_118, %dma_start3A_119] : memref<100000x64xf32, #tpu.memory_space<hbm>> -> memref<100000x64xf32, #tpu.memory_space<hbm>>
    tpu.enqueue_indirect_dma source(%dma_start3A_120 : memref<100000x64xf32, #tpu.memory_space<hbm>>) target(%dma_start3A_114 : memref<128x64xf32, #tpu.memory_space<vmem>>) offsets(%dma_start3A_117 : memref<128xi32, #tpu.memory_space<vmem>>) semaphore(%arg11 : memref<!tpu.dma_semaphore, #tpu.memory_space<semaphore_mem>>)
    %get3A = arith.constant 0 : i32
    %get3A_121 = arith.index_cast %get3A : i32 to index
    %get3A_122 = arith.constant 0 : index
    %get3A_123 = tpu.vector_load %arg9[%get3A_121, %get3A_122] {strides = array<i32>} : memref<10x64xf32, #tpu.memory_space<vmem>>, vector<1x16xf32>,
    %get3A_124 = vector.shape_cast %get3A_123 : vector<1x16xf32> to vector<16xf32>
    %swap3A = arith.constant 0 : i32
    %swap3A_125 = arith.index_cast %swap3A : i32 to index
    %swap3A_126 = arith.constant 0 : index
    %swap3A_127 = tpu.vector_load %arg7[%swap3A_125, %swap3A_126] {strides = array<i32>} : memref<512x64xf32, #tpu.memory_space<vmem>>, vector<1x16xf32>,
    %swap3A_128 = vector.shape_cast %swap3A_127 : vector<1x16xf32> to vector<16xf32>
    %swap3A_129 = vector.shape_cast %get3A_124 : vector<16xf32> to vector<1x16xf32>
    tpu.vector_store %arg7[%swap3A_125, %swap3A_126], %swap3A_129 {strides = array<i32>} : memref<512x64xf32, #tpu.memory_space<vmem>>, vector<1x16xf32>,
    %get3A_130 = arith.constant 0 : i32
    %get3A_131 = arith.index_cast %get3A_130 : i32 to index
    %get3A_132 = arith.constant 16 : index
    %get3A_133 = tpu.vector_load %arg9[%get3A_131, %get3A_132] {strides = array<i32>} : memref<10x64xf32, #tpu.memory_space<vmem>>, vector<1x16xf32>,
    %get3A_134 = vector.shape_cast %get3A_133 : vector<1x16xf32> to vector<16xf32>
    %swap3A_135 = arith.constant 0 : i32
    %swap3A_136 = arith.index_cast %swap3A_135 : i32 to index
    %swap3A_137 = arith.constant 16 : index
    %swap3A_138 = tpu.vector_load %arg7[%swap3A_136, %swap3A_137] {strides = array<i32>} : memref<512x64xf32, #tpu.memory_space<vmem>>, vector<1x16xf32>,
    %swap3A_139 = vector.shape_cast %swap3A_138 : vector<1x16xf32> to vector<16xf32>
    %swap3A_140 = vector.shape_cast %get3A_134 : vector<16xf32> to vector<1x16xf32>
    tpu.vector_store %arg7[%swap3A_136, %swap3A_137], %swap3A_140 {strides = array<i32>} : memref<512x64xf32, #tpu.memory_space<vmem>>, vector<1x16xf32>,
    %get3A_141 = arith.constant 0 : i32
    %get3A_142 = arith.index_cast %get3A_141 : i32 to index
    %get3A_143 = arith.constant 32 : index
    %get3A_144 = tpu.vector_load %arg9[%get3A_142, %get3A_143] {strides = array<i32>} : memref<10x64xf32, #tpu.memory_space<vmem>>, vector<1x16xf32>,
    %get3A_145 = vector.shape_cast %get3A_144 : vector<1x16xf32> to vector<16xf32>
    %swap3A_146 = arith.constant 0 : i32
    %swap3A_147 = arith.index_cast %swap3A_146 : i32 to index
    %swap3A_148 = arith.constant 32 : index
    %swap3A_149 = tpu.vector_load %arg7[%swap3A_147, %swap3A_148] {strides = array<i32>} : memref<512x64xf32, #tpu.memory_space<vmem>>, vector<1x16xf32>,
    %swap3A_150 = vector.shape_cast %swap3A_149 : vector<1x16xf32> to vector<16xf32>
    %swap3A_151 = vector.shape_cast %get3A_145 : vector<16xf32> to vector<1x16xf32>
    tpu.vector_store %arg7[%swap3A_147, %swap3A_148], %swap3A_151 {strides = array<i32>} : memref<512x64xf32, #tpu.memory_space<vmem>>, vector<1x16xf32>,
    %get3A_152 = arith.constant 0 : i32
    %get3A_153 = arith.index_cast %get3A_152 : i32 to index
    %get3A_154 = arith.constant 48 : index
    %get3A_155 = tpu.vector_load %arg9[%get3A_153, %get3A_154] {strides = array<i32>} : memref<10x64xf32, #tpu.memory_space<vmem>>, vector<1x16xf32>,
    %get3A_156 = vector.shape_cast %get3A_155 : vector<1x16xf32> to vector<16xf32>
    %swap3A_157 = arith.constant 0 : i32
    %swap3A_158 = arith.index_cast %swap3A_157 : i32 to index
    %swap3A_159 = arith.constant 48 : index
    %swap3A_160 = tpu.vector_load %arg7[%swap3A_158, %swap3A_159] {strides = array<i32>} : memref<512x64xf32, #tpu.memory_space<vmem>>, vector<1x16xf32>,
    %swap3A_161 = vector.shape_cast %swap3A_160 : vector<1x16xf32> to vector<16xf32>
    %swap3A_162 = vector.shape_cast %get3A_156 : vector<16xf32> to vector<1x16xf32>
    tpu.vector_store %arg7[%swap3A_158, %swap3A_159], %swap3A_162 {strides = array<i32>} : memref<512x64xf32, #tpu.memory_space<vmem>>, vector<1x16xf32>,
    %get3A_163 = arith.constant 1 : i32
    %get3A_164 = arith.index_cast %get3A_163 : i32 to index
    %get3A_165 = arith.constant 0 : index
    %get3A_166 = tpu.vector_load %arg9[%get3A_164, %get3A_165] {strides = array<i32>} : memref<10x64xf32, #tpu.memory_space<vmem>>, vector<1x16xf32>,
    %get3A_167 = vector.shape_cast %get3A_166 : vector<1x16xf32> to vector<16xf32>
    %swap3A_168 = arith.constant 1 : i32
    %swap3A_169 = arith.index_cast %swap3A_168 : i32 to index
    %swap3A_170 = arith.constant 0 : index
    %swap3A_171 = tpu.vector_load %arg7[%swap3A_169, %swap3A_170] {strides = array<i32>} : memref<512x64xf32, #tpu.memory_space<vmem>>, vector<1x16xf32>,
    %swap3A_172 = vector.shape_cast %swap3A_171 : vector<1x16xf32> to vector<16xf32>
    %swap3A_173 = vector.shape_cast %get3A_167 : vector<16xf32> to vector<1x16xf32>
    tpu.vector_store %arg7[%swap3A_169, %swap3A_170], %swap3A_173 {strides = array<i32>} : memref<512x64xf32, #tpu.memory_space<vmem>>, vector<1x16xf32>,
    %get3A_174 = arith.constant 1 : i32
    %get3A_175 = arith.index_cast %get3A_174 : i32 to index
    %get3A_176 = arith.constant 16 : index
    %get3A_177 = tpu.vector_load %arg9[%get3A_175, %get3A_176] {strides = array<i32>} : memref<10x64xf32, #tpu.memory_space<vmem>>, vector<1x16xf32>,
    %get3A_178 = vector.shape_cast %get3A_177 : vector<1x16xf32> to vector<16xf32>
    %swap3A_179 = arith.constant 1 : i32
    %swap3A_180 = arith.index_cast %swap3A_179 : i32 to index
    %swap3A_181 = arith.constant 16 : index
    %swap3A_182 = tpu.vector_load %arg7[%swap3A_180, %swap3A_181] {strides = array<i32>} : memref<512x64xf32, #tpu.memory_space<vmem>>, vector<1x16xf32>,
    %swap3A_183 = vector.shape_cast %swap3A_182 : vector<1x16xf32> to vector<16xf32>
    %swap3A_184 = vector.shape_cast %get3A_178 : vector<16xf32> to vector<1x16xf32>
    tpu.vector_store %arg7[%swap3A_180, %swap3A_181], %swap3A_184 {strides = array<i32>} : memref<512x64xf32, #tpu.memory_space<vmem>>, vector<1x16xf32>,
    %get3A_185 = arith.constant 1 : i32
    %get3A_186 = arith.index_cast %get3A_185 : i32 to index
    %get3A_187 = arith.constant 32 : index
    %get3A_188 = tpu.vector_load %arg9[%get3A_186, %get3A_187] {strides = array<i32>} : memref<10x64xf32, #tpu.memory_space<vmem>>, vector<1x16xf32>,
    %get3A_189 = vector.shape_cast %get3A_188 : vector<1x16xf32> to vector<16xf32>
    %swap3A_190 = arith.constant 1 : i32
    %swap3A_191 = arith.index_cast %swap3A_190 : i32 to index
    %swap3A_192 = arith.constant 32 : index
    %swap3A_193 = tpu.vector_load %arg7[%swap3A_191, %swap3A_192] {strides = array<i32>} : memref<512x64xf32, #tpu.memory_space<vmem>>, vector<1x16xf32>,
    %swap3A_194 = vector.shape_cast %swap3A_193 : vector<1x16xf32> to vector<16xf32>
    %swap3A_195 = vector.shape_cast %get3A_189 : vector<16xf32> to vector<1x16xf32>
    tpu.vector_store %arg7[%swap3A_191, %swap3A_192], %swap3A_195 {strides = array<i32>} : memref<512x64xf32, #tpu.memory_space<vmem>>, vector<1x16xf32>,
    %get3A_196 = arith.constant 1 : i32
    %get3A_197 = arith.index_cast %get3A_196 : i32 to index
    %get3A_198 = arith.constant 48 : index
    %get3A_199 = tpu.vector_load %arg9[%get3A_197, %get3A_198] {strides = array<i32>} : memref<10x64xf32, #tpu.memory_space<vmem>>, vector<1x16xf32>,
    %get3A_200 = vector.shape_cast %get3A_199 : vector<1x16xf32> to vector<16xf32>
    %swap3A_201 = arith.constant 1 : i32
    %swap3A_202 = arith.index_cast %swap3A_201 : i32 to index
    %swap3A_203 = arith.constant 48 : index
    %swap3A_204 = tpu.vector_load %arg7[%swap3A_202, %swap3A_203] {strides = array<i32>} : memref<512x64xf32, #tpu.memory_space<vmem>>, vector<1x16xf32>,
    %swap3A_205 = vector.shape_cast %swap3A_204 : vector<1x16xf32> to vector<16xf32>
    %swap3A_206 = vector.shape_cast %get3A_200 : vector<16xf32> to vector<1x16xf32>
    tpu.vector_store %arg7[%swap3A_202, %swap3A_203], %swap3A_206 {strides = array<i32>} : memref<512x64xf32, #tpu.memory_space<vmem>>, vector<1x16xf32>,
    %get3A_207 = arith.constant 2 : i32
    %get3A_208 = arith.index_cast %get3A_207 : i32 to index
    %get3A_209 = arith.constant 0 : index
    %get3A_210 = tpu.vector_load %arg9[%get3A_208, %get3A_209] {strides = array<i32>} : memref<10x64xf32, #tpu.memory_space<vmem>>, vector<1x16xf32>,
    %get3A_211 = vector.shape_cast %get3A_210 : vector<1x16xf32> to vector<16xf32>
    %swap3A_212 = arith.constant 2 : i32
    %swap3A_213 = arith.index_cast %swap3A_212 : i32 to index
    %swap3A_214 = arith.constant 0 : index
    %swap3A_215 = tpu.vector_load %arg7[%swap3A_213, %swap3A_214] {strides = array<i32>} : memref<512x64xf32, #tpu.memory_space<vmem>>, vector<1x16xf32>,
    %swap3A_216 = vector.shape_cast %swap3A_215 : vector<1x16xf32> to vector<16xf32>
    %swap3A_217 = vector.shape_cast %get3A_211 : vector<16xf32> to vector<1x16xf32>
    tpu.vector_store %arg7[%swap3A_213, %swap3A_214], %swap3A_217 {strides = array<i32>} : memref<512x64xf32, #tpu.memory_space<vmem>>, vector<1x16xf32>,
    %get3A_218 = arith.constant 2 : i32
    %get3A_219 = arith.index_cast %get3A_218 : i32 to index
    %get3A_220 = arith.constant 16 : index
    %get3A_221 = tpu.vector_load %arg9[%get3A_219, %get3A_220] {strides = array<i32>} : memref<10x64xf32, #tpu.memory_space<vmem>>, vector<1x16xf32>,
    %get3A_222 = vector.shape_cast %get3A_221 : vector<1x16xf32> to vector<16xf32>
    %swap3A_223 = arith.constant 2 : i32
    %swap3A_224 = arith.index_cast %swap3A_223 : i32 to index
    %swap3A_225 = arith.constant 16 : index
    %swap3A_226 = tpu.vector_load %arg7[%swap3A_224, %swap3A_225] {strides = array<i32>} : memref<512x64xf32, #tpu.memory_space<vmem>>, vector<1x16xf32>,
    %swap3A_227 = vector.shape_cast %swap3A_226 : vector<1x16xf32> to vector<16xf32>
    %swap3A_228 = vector.shape_cast %get3A_222 : vector<16xf32> to vector<1x16xf32>
    tpu.vector_store %arg7[%swap3A_224, %swap3A_225], %swap3A_228 {strides = array<i32>} : memref<512x64xf32, #tpu.memory_space<vmem>>, vector<1x16xf32>,
    %get3A_229 = arith.constant 2 : i32
    %get3A_230 = arith.index_cast %get3A_229 : i32 to index
    %get3A_231 = arith.constant 32 : index
    %get3A_232 = tpu.vector_load %arg9[%get3A_230, %get3A_231] {strides = array<i32>} : memref<10x64xf32, #tpu.memory_space<vmem>>, vector<1x16xf32>,
    %get3A_233 = vector.shape_cast %get3A_232 : vector<1x16xf32> to vector<16xf32>
    %swap3A_234 = arith.constant 2 : i32
    %swap3A_235 = arith.index_cast %swap3A_234 : i32 to index
    %swap3A_236 = arith.constant 32 : index
    %swap3A_237 = tpu.vector_load %arg7[%swap3A_235, %swap3A_236] {strides = array<i32>} : memref<512x64xf32, #tpu.memory_space<vmem>>, vector<1x16xf32>,
    %swap3A_238 = vector.shape_cast %swap3A_237 : vector<1x16xf32> to vector<16xf32>
    %swap3A_239 = vector.shape_cast %get3A_233 : vector<16xf32> to vector<1x16xf32>
    tpu.vector_store %arg7[%swap3A_235, %swap3A_236], %swap3A_239 {strides = array<i32>} : memref<512x64xf32, #tpu.memory_space<vmem>>, vector<1x16xf32>,
    %get3A_240 = arith.constant 2 : i32
    %get3A_241 = arith.index_cast %get3A_240 : i32 to index
    %get3A_242 = arith.constant 48 : index
    %get3A_243 = tpu.vector_load %arg9[%get3A_241, %get3A_242] {strides = array<i32>} : memref<10x64xf32, #tpu.memory_space<vmem>>, vector<1x16xf32>,
    %get3A_244 = vector.shape_cast %get3A_243 : vector<1x16xf32> to vector<16xf32>
    %swap3A_245 = arith.constant 2 : i32
    %swap3A_246 = arith.index_cast %swap3A_245 : i32 to index
    %swap3A_247 = arith.constant 48 : index
    %swap3A_248 = tpu.vector_load %arg7[%swap3A_246, %swap3A_247] {strides = array<i32>} : memref<512x64xf32, #tpu.memory_space<vmem>>, vector<1x16xf32>,
    %swap3A_249 = vector.shape_cast %swap3A_248 : vector<1x16xf32> to vector<16xf32>
    %swap3A_250 = vector.shape_cast %get3A_244 : vector<16xf32> to vector<1x16xf32>
    tpu.vector_store %arg7[%swap3A_246, %swap3A_247], %swap3A_250 {strides = array<i32>} : memref<512x64xf32, #tpu.memory_space<vmem>>, vector<1x16xf32>,
    %get3A_251 = arith.constant 3 : i32
    %get3A_252 = arith.index_cast %get3A_251 : i32 to index
    %get3A_253 = arith.constant 0 : index
    %get3A_254 = tpu.vector_load %arg9[%get3A_252, %get3A_253] {strides = array<i32>} : memref<10x64xf32, #tpu.memory_space<vmem>>, vector<1x16xf32>,
    %get3A_255 = vector.shape_cast %get3A_254 : vector<1x16xf32> to vector<16xf32>
    %swap3A_256 = arith.constant 3 : i32
    %swap3A_257 = arith.index_cast %swap3A_256 : i32 to index
    %swap3A_258 = arith.constant 0 : index
    %swap3A_259 = tpu.vector_load %arg7[%swap3A_257, %swap3A_258] {strides = array<i32>} : memref<512x64xf32, #tpu.memory_space<vmem>>, vector<1x16xf32>,
    %swap3A_260 = vector.shape_cast %swap3A_259 : vector<1x16xf32> to vector<16xf32>
    %swap3A_261 = vector.shape_cast %get3A_255 : vector<16xf32> to vector<1x16xf32>
    tpu.vector_store %arg7[%swap3A_257, %swap3A_258], %swap3A_261 {strides = array<i32>} : memref<512x64xf32, #tpu.memory_space<vmem>>, vector<1x16xf32>,
    %get3A_262 = arith.constant 3 : i32
    %get3A_263 = arith.index_cast %get3A_262 : i32 to index
    %get3A_264 = arith.constant 16 : index
    %get3A_265 = tpu.vector_load %arg9[%get3A_263, %get3A_264] {strides = array<i32>} : memref<10x64xf32, #tpu.memory_space<vmem>>, vector<1x16xf32>,
    %get3A_266 = vector.shape_cast %get3A_265 : vector<1x16xf32> to vector<16xf32>
    %swap3A_267 = arith.constant 3 : i32
    %swap3A_268 = arith.index_cast %swap3A_267 : i32 to index
    %swap3A_269 = arith.constant 16 : index
    %swap3A_270 = tpu.vector_load %arg7[%swap3A_268, %swap3A_269] {strides = array<i32>} : memref<512x64xf32, #tpu.memory_space<vmem>>, vector<1x16xf32>,
    %swap3A_271 = vector.shape_cast %swap3A_270 : vector<1x16xf32> to vector<16xf32>
    %swap3A_272 = vector.shape_cast %get3A_266 : vector<16xf32> to vector<1x16xf32>
    tpu.vector_store %arg7[%swap3A_268, %swap3A_269], %swap3A_272 {strides = array<i32>} : memref<512x64xf32, #tpu.memory_space<vmem>>, vector<1x16xf32>,
    %get3A_273 = arith.constant 3 : i32
    %get3A_274 = arith.index_cast %get3A_273 : i32 to index
    %get3A_275 = arith.constant 32 : index
    %get3A_276 = tpu.vector_load %arg9[%get3A_274, %get3A_275] {strides = array<i32>} : memref<10x64xf32, #tpu.memory_space<vmem>>, vector<1x16xf32>,
    %get3A_277 = vector.shape_cast %get3A_276 : vector<1x16xf32> to vector<16xf32>
    %swap3A_278 = arith.constant 3 : i32
    %swap3A_279 = arith.index_cast %swap3A_278 : i32 to index
    %swap3A_280 = arith.constant 32 : index
    %swap3A_281 = tpu.vector_load %arg7[%swap3A_279, %swap3A_280] {strides = array<i32>} : memref<512x64xf32, #tpu.memory_space<vmem>>, vector<1x16xf32>,
    %swap3A_282 = vector.shape_cast %swap3A_281 : vector<1x16xf32> to vector<16xf32>
    %swap3A_283 = vector.shape_cast %get3A_277 : vector<16xf32> to vector<1x16xf32>
    tpu.vector_store %arg7[%swap3A_279, %swap3A_280], %swap3A_283 {strides = array<i32>} : memref<512x64xf32, #tpu.memory_space<vmem>>, vector<1x16xf32>,
    %get3A_284 = arith.constant 3 : i32
    %get3A_285 = arith.index_cast %get3A_284 : i32 to index
    %get3A_286 = arith.constant 48 : index
    %get3A_287 = tpu.vector_load %arg9[%get3A_285, %get3A_286] {strides = array<i32>} : memref<10x64xf32, #tpu.memory_space<vmem>>, vector<1x16xf32>,
    %get3A_288 = vector.shape_cast %get3A_287 : vector<1x16xf32> to vector<16xf32>
    %swap3A_289 = arith.constant 3 : i32
    %swap3A_290 = arith.index_cast %swap3A_289 : i32 to index
    %swap3A_291 = arith.constant 48 : index
    %swap3A_292 = tpu.vector_load %arg7[%swap3A_290, %swap3A_291] {strides = array<i32>} : memref<512x64xf32, #tpu.memory_space<vmem>>, vector<1x16xf32>,
    %swap3A_293 = vector.shape_cast %swap3A_292 : vector<1x16xf32> to vector<16xf32>
    %swap3A_294 = vector.shape_cast %get3A_288 : vector<16xf32> to vector<1x16xf32>
    tpu.vector_store %arg7[%swap3A_290, %swap3A_291], %swap3A_294 {strides = array<i32>} : memref<512x64xf32, #tpu.memory_space<vmem>>, vector<1x16xf32>,
    %get3A_295 = arith.constant 4 : i32
    %get3A_296 = arith.index_cast %get3A_295 : i32 to index
    %get3A_297 = arith.constant 0 : index
    %get3A_298 = tpu.vector_load %arg9[%get3A_296, %get3A_297] {strides = array<i32>} : memref<10x64xf32, #tpu.memory_space<vmem>>, vector<1x16xf32>,
    %get3A_299 = vector.shape_cast %get3A_298 : vector<1x16xf32> to vector<16xf32>
    %swap3A_300 = arith.constant 4 : i32
    %swap3A_301 = arith.index_cast %swap3A_300 : i32 to index
    %swap3A_302 = arith.constant 0 : index
    %swap3A_303 = tpu.vector_load %arg7[%swap3A_301, %swap3A_302] {strides = array<i32>} : memref<512x64xf32, #tpu.memory_space<vmem>>, vector<1x16xf32>,
    %swap3A_304 = vector.shape_cast %swap3A_303 : vector<1x16xf32> to vector<16xf32>
    %swap3A_305 = vector.shape_cast %get3A_299 : vector<16xf32> to vector<1x16xf32>
    tpu.vector_store %arg7[%swap3A_301, %swap3A_302], %swap3A_305 {strides = array<i32>} : memref<512x64xf32, #tpu.memory_space<vmem>>, vector<1x16xf32>,
    %get3A_306 = arith.constant 4 : i32
    %get3A_307 = arith.index_cast %get3A_306 : i32 to index
    %get3A_308 = arith.constant 16 : index
    %get3A_309 = tpu.vector_load %arg9[%get3A_307, %get3A_308] {strides = array<i32>} : memref<10x64xf32, #tpu.memory_space<vmem>>, vector<1x16xf32>,
    %get3A_310 = vector.shape_cast %get3A_309 : vector<1x16xf32> to vector<16xf32>
    %swap3A_311 = arith.constant 4 : i32
    %swap3A_312 = arith.index_cast %swap3A_311 : i32 to index
    %swap3A_313 = arith.constant 16 : index
    %swap3A_314 = tpu.vector_load %arg7[%swap3A_312, %swap3A_313] {strides = array<i32>} : memref<512x64xf32, #tpu.memory_space<vmem>>, vector<1x16xf32>,
    %swap3A_315 = vector.shape_cast %swap3A_314 : vector<1x16xf32> to vector<16xf32>
    %swap3A_316 = vector.shape_cast %get3A_310 : vector<16xf32> to vector<1x16xf32>
    tpu.vector_store %arg7[%swap3A_312, %swap3A_313], %swap3A_316 {strides = array<i32>} : memref<512x64xf32, #tpu.memory_space<vmem>>, vector<1x16xf32>,
    %get3A_317 = arith.constant 4 : i32
    %get3A_318 = arith.index_cast %get3A_317 : i32 to index
    %get3A_319 = arith.constant 32 : index
    %get3A_320 = tpu.vector_load %arg9[%get3A_318, %get3A_319] {strides = array<i32>} : memref<10x64xf32, #tpu.memory_space<vmem>>, vector<1x16xf32>,
    %get3A_321 = vector.shape_cast %get3A_320 : vector<1x16xf32> to vector<16xf32>
    %swap3A_322 = arith.constant 4 : i32
    %swap3A_323 = arith.index_cast %swap3A_322 : i32 to index
    %swap3A_324 = arith.constant 32 : index
    %swap3A_325 = tpu.vector_load %arg7[%swap3A_323, %swap3A_324] {strides = array<i32>} : memref<512x64xf32, #tpu.memory_space<vmem>>, vector<1x16xf32>,
    %swap3A_326 = vector.shape_cast %swap3A_325 : vector<1x16xf32> to vector<16xf32>
    %swap3A_327 = vector.shape_cast %get3A_321 : vector<16xf32> to vector<1x16xf32>
    tpu.vector_store %arg7[%swap3A_323, %swap3A_324], %swap3A_327 {strides = array<i32>} : memref<512x64xf32, #tpu.memory_space<vmem>>, vector<1x16xf32>,
    %get3A_328 = arith.constant 4 : i32
    %get3A_329 = arith.index_cast %get3A_328 : i32 to index
    %get3A_330 = arith.constant 48 : index
    %get3A_331 = tpu.vector_load %arg9[%get3A_329, %get3A_330] {strides = array<i32>} : memref<10x64xf32, #tpu.memory_space<vmem>>, vector<1x16xf32>,
    %get3A_332 = vector.shape_cast %get3A_331 : vector<1x16xf32> to vector<16xf32>
    %swap3A_333 = arith.constant 4 : i32
    %swap3A_334 = arith.index_cast %swap3A_333 : i32 to index
    %swap3A_335 = arith.constant 48 : index
    %swap3A_336 = tpu.vector_load %arg7[%swap3A_334, %swap3A_335] {strides = array<i32>} : memref<512x64xf32, #tpu.memory_space<vmem>>, vector<1x16xf32>,
    %swap3A_337 = vector.shape_cast %swap3A_336 : vector<1x16xf32> to vector<16xf32>
    %swap3A_338 = vector.shape_cast %get3A_332 : vector<16xf32> to vector<1x16xf32>
    tpu.vector_store %arg7[%swap3A_334, %swap3A_335], %swap3A_338 {strides = array<i32>} : memref<512x64xf32, #tpu.memory_space<vmem>>, vector<1x16xf32>,
    %get3A_339 = arith.constant 5 : i32
    %get3A_340 = arith.index_cast %get3A_339 : i32 to index
    %get3A_341 = arith.constant 0 : index
    %get3A_342 = tpu.vector_load %arg9[%get3A_340, %get3A_341] {strides = array<i32>} : memref<10x64xf32, #tpu.memory_space<vmem>>, vector<1x16xf32>,
    %get3A_343 = vector.shape_cast %get3A_342 : vector<1x16xf32> to vector<16xf32>
    %swap3A_344 = arith.constant 5 : i32
    %swap3A_345 = arith.index_cast %swap3A_344 : i32 to index
    %swap3A_346 = arith.constant 0 : index
    %swap3A_347 = tpu.vector_load %arg7[%swap3A_345, %swap3A_346] {strides = array<i32>} : memref<512x64xf32, #tpu.memory_space<vmem>>, vector<1x16xf32>,
    %swap3A_348 = vector.shape_cast %swap3A_347 : vector<1x16xf32> to vector<16xf32>
    %swap3A_349 = vector.shape_cast %get3A_343 : vector<16xf32> to vector<1x16xf32>
    tpu.vector_store %arg7[%swap3A_345, %swap3A_346], %swap3A_349 {strides = array<i32>} : memref<512x64xf32, #tpu.memory_space<vmem>>, vector<1x16xf32>,
    %get3A_350 = arith.constant 5 : i32
    %get3A_351 = arith.index_cast %get3A_350 : i32 to index
    %get3A_352 = arith.constant 16 : index
    %get3A_353 = tpu.vector_load %arg9[%get3A_351, %get3A_352] {strides = array<i32>} : memref<10x64xf32, #tpu.memory_space<vmem>>, vector<1x16xf32>,
    %get3A_354 = vector.shape_cast %get3A_353 : vector<1x16xf32> to vector<16xf32>
    %swap3A_355 = arith.constant 5 : i32
    %swap3A_356 = arith.index_cast %swap3A_355 : i32 to index
    %swap3A_357 = arith.constant 16 : index
    %swap3A_358 = tpu.vector_load %arg7[%swap3A_356, %swap3A_357] {strides = array<i32>} : memref<512x64xf32, #tpu.memory_space<vmem>>, vector<1x16xf32>,
    %swap3A_359 = vector.shape_cast %swap3A_358 : vector<1x16xf32> to vector<16xf32>
    %swap3A_360 = vector.shape_cast %get3A_354 : vector<16xf32> to vector<1x16xf32>
    tpu.vector_store %arg7[%swap3A_356, %swap3A_357], %swap3A_360 {strides = array<i32>} : memref<512x64xf32, #tpu.memory_space<vmem>>, vector<1x16xf32>,
    %get3A_361 = arith.constant 5 : i32
    %get3A_362 = arith.index_cast %get3A_361 : i32 to index
    %get3A_363 = arith.constant 32 : index
    %get3A_364 = tpu.vector_load %arg9[%get3A_362, %get3A_363] {strides = array<i32>} : memref<10x64xf32, #tpu.memory_space<vmem>>, vector<1x16xf32>,
    %get3A_365 = vector.shape_cast %get3A_364 : vector<1x16xf32> to vector<16xf32>
    %swap3A_366 = arith.constant 5 : i32
    %swap3A_367 = arith.index_cast %swap3A_366 : i32 to index
    %swap3A_368 = arith.constant 32 : index
    %swap3A_369 = tpu.vector_load %arg7[%swap3A_367, %swap3A_368] {strides = array<i32>} : memref<512x64xf32, #tpu.memory_space<vmem>>, vector<1x16xf32>,
    %swap3A_370 = vector.shape_cast %swap3A_369 : vector<1x16xf32> to vector<16xf32>
    %swap3A_371 = vector.shape_cast %get3A_365 : vector<16xf32> to vector<1x16xf32>
    tpu.vector_store %arg7[%swap3A_367, %swap3A_368], %swap3A_371 {strides = array<i32>} : memref<512x64xf32, #tpu.memory_space<vmem>>, vector<1x16xf32>,
    %get3A_372 = arith.constant 5 : i32
    %get3A_373 = arith.index_cast %get3A_372 : i32 to index
    %get3A_374 = arith.constant 48 : index
    %get3A_375 = tpu.vector_load %arg9[%get3A_373, %get3A_374] {strides = array<i32>} : memref<10x64xf32, #tpu.memory_space<vmem>>, vector<1x16xf32>,
    %get3A_376 = vector.shape_cast %get3A_375 : vector<1x16xf32> to vector<16xf32>
    %swap3A_377 = arith.constant 5 : i32
    %swap3A_378 = arith.index_cast %swap3A_377 : i32 to index
    %swap3A_379 = arith.constant 48 : index
    %swap3A_380 = tpu.vector_load %arg7[%swap3A_378, %swap3A_379] {strides = array<i32>} : memref<512x64xf32, #tpu.memory_space<vmem>>, vector<1x16xf32>,
    %swap3A_381 = vector.shape_cast %swap3A_380 : vector<1x16xf32> to vector<16xf32>
    %swap3A_382 = vector.shape_cast %get3A_376 : vector<16xf32> to vector<1x16xf32>
    tpu.vector_store %arg7[%swap3A_378, %swap3A_379], %swap3A_382 {strides = array<i32>} : memref<512x64xf32, #tpu.memory_space<vmem>>, vector<1x16xf32>,
    %get3A_383 = arith.constant 6 : i32
    %get3A_384 = arith.index_cast %get3A_383 : i32 to index
    %get3A_385 = arith.constant 0 : index
    %get3A_386 = tpu.vector_load %arg9[%get3A_384, %get3A_385] {strides = array<i32>} : memref<10x64xf32, #tpu.memory_space<vmem>>, vector<1x16xf32>,
    %get3A_387 = vector.shape_cast %get3A_386 : vector<1x16xf32> to vector<16xf32>
    %swap3A_388 = arith.constant 6 : i32
    %swap3A_389 = arith.index_cast %swap3A_388 : i32 to index
    %swap3A_390 = arith.constant 0 : index
    %swap3A_391 = tpu.vector_load %arg7[%swap3A_389, %swap3A_390] {strides = array<i32>} : memref<512x64xf32, #tpu.memory_space<vmem>>, vector<1x16xf32>,
    %swap3A_392 = vector.shape_cast %swap3A_391 : vector<1x16xf32> to vector<16xf32>
    %swap3A_393 = vector.shape_cast %get3A_387 : vector<16xf32> to vector<1x16xf32>
    tpu.vector_store %arg7[%swap3A_389, %swap3A_390], %swap3A_393 {strides = array<i32>} : memref<512x64xf32, #tpu.memory_space<vmem>>, vector<1x16xf32>,
    %get3A_394 = arith.constant 6 : i32
    %get3A_395 = arith.index_cast %get3A_394 : i32 to index
    %get3A_396 = arith.constant 16 : index
    %get3A_397 = tpu.vector_load %arg9[%get3A_395, %get3A_396] {strides = array<i32>} : memref<10x64xf32, #tpu.memory_space<vmem>>, vector<1x16xf32>,
    %get3A_398 = vector.shape_cast %get3A_397 : vector<1x16xf32> to vector<16xf32>
    %swap3A_399 = arith.constant 6 : i32
    %swap3A_400 = arith.index_cast %swap3A_399 : i32 to index
    %swap3A_401 = arith.constant 16 : index
    %swap3A_402 = tpu.vector_load %arg7[%swap3A_400, %swap3A_401] {strides = array<i32>} : memref<512x64xf32, #tpu.memory_space<vmem>>, vector<1x16xf32>,
    %swap3A_403 = vector.shape_cast %swap3A_402 : vector<1x16xf32> to vector<16xf32>
    %swap3A_404 = vector.shape_cast %get3A_398 : vector<16xf32> to vector<1x16xf32>
    tpu.vector_store %arg7[%swap3A_400, %swap3A_401], %swap3A_404 {strides = array<i32>} : memref<512x64xf32, #tpu.memory_space<vmem>>, vector<1x16xf32>,
    %get3A_405 = arith.constant 6 : i32
    %get3A_406 = arith.index_cast %get3A_405 : i32 to index
    %get3A_407 = arith.constant 32 : index
    %get3A_408 = tpu.vector_load %arg9[%get3A_406, %get3A_407] {strides = array<i32>} : memref<10x64xf32, #tpu.memory_space<vmem>>, vector<1x16xf32>,
    %get3A_409 = vector.shape_cast %get3A_408 : vector<1x16xf32> to vector<16xf32>
    %swap3A_410 = arith.constant 6 : i32
    %swap3A_411 = arith.index_cast %swap3A_410 : i32 to index
    %swap3A_412 = arith.constant 32 : index
    %swap3A_413 = tpu.vector_load %arg7[%swap3A_411, %swap3A_412] {strides = array<i32>} : memref<512x64xf32, #tpu.memory_space<vmem>>, vector<1x16xf32>,
    %swap3A_414 = vector.shape_cast %swap3A_413 : vector<1x16xf32> to vector<16xf32>
    %swap3A_415 = vector.shape_cast %get3A_409 : vector<16xf32> to vector<1x16xf32>
    tpu.vector_store %arg7[%swap3A_411, %swap3A_412], %swap3A_415 {strides = array<i32>} : memref<512x64xf32, #tpu.memory_space<vmem>>, vector<1x16xf32>,
    %get3A_416 = arith.constant 6 : i32
    %get3A_417 = arith.index_cast %get3A_416 : i32 to index
    %get3A_418 = arith.constant 48 : index
    %get3A_419 = tpu.vector_load %arg9[%get3A_417, %get3A_418] {strides = array<i32>} : memref<10x64xf32, #tpu.memory_space<vmem>>, vector<1x16xf32>,
    %get3A_420 = vector.shape_cast %get3A_419 : vector<1x16xf32> to vector<16xf32>
    %swap3A_421 = arith.constant 6 : i32
    %swap3A_422 = arith.index_cast %swap3A_421 : i32 to index
    %swap3A_423 = arith.constant 48 : index
    %swap3A_424 = tpu.vector_load %arg7[%swap3A_422, %swap3A_423] {strides = array<i32>} : memref<512x64xf32, #tpu.memory_space<vmem>>, vector<1x16xf32>,
    %swap3A_425 = vector.shape_cast %swap3A_424 : vector<1x16xf32> to vector<16xf32>
    %swap3A_426 = vector.shape_cast %get3A_420 : vector<16xf32> to vector<1x16xf32>
    tpu.vector_store %arg7[%swap3A_422, %swap3A_423], %swap3A_426 {strides = array<i32>} : memref<512x64xf32, #tpu.memory_space<vmem>>, vector<1x16xf32>,
    %get3A_427 = arith.constant 7 : i32
    %get3A_428 = arith.index_cast %get3A_427 : i32 to index
    %get3A_429 = arith.constant 0 : index
    %get3A_430 = tpu.vector_load %arg9[%get3A_428, %get3A_429] {strides = array<i32>} : memref<10x64xf32, #tpu.memory_space<vmem>>, vector<1x16xf32>,
    %get3A_431 = vector.shape_cast %get3A_430 : vector<1x16xf32> to vector<16xf32>
    %swap3A_432 = arith.constant 7 : i32
    %swap3A_433 = arith.index_cast %swap3A_432 : i32 to index
    %swap3A_434 = arith.constant 0 : index
    %swap3A_435 = tpu.vector_load %arg7[%swap3A_433, %swap3A_434] {strides = array<i32>} : memref<512x64xf32, #tpu.memory_space<vmem>>, vector<1x16xf32>,
    %swap3A_436 = vector.shape_cast %swap3A_435 : vector<1x16xf32> to vector<16xf32>
    %swap3A_437 = vector.shape_cast %get3A_431 : vector<16xf32> to vector<1x16xf32>
    tpu.vector_store %arg7[%swap3A_433, %swap3A_434], %swap3A_437 {strides = array<i32>} : memref<512x64xf32, #tpu.memory_space<vmem>>, vector<1x16xf32>,
    %get3A_438 = arith.constant 7 : i32
    %get3A_439 = arith.index_cast %get3A_438 : i32 to index
    %get3A_440 = arith.constant 16 : index
    %get3A_441 = tpu.vector_load %arg9[%get3A_439, %get3A_440] {strides = array<i32>} : memref<10x64xf32, #tpu.memory_space<vmem>>, vector<1x16xf32>,
    %get3A_442 = vector.shape_cast %get3A_441 : vector<1x16xf32> to vector<16xf32>
    %swap3A_443 = arith.constant 7 : i32
    %swap3A_444 = arith.index_cast %swap3A_443 : i32 to index
    %swap3A_445 = arith.constant 16 : index
    %swap3A_446 = tpu.vector_load %arg7[%swap3A_444, %swap3A_445] {strides = array<i32>} : memref<512x64xf32, #tpu.memory_space<vmem>>, vector<1x16xf32>,
    %swap3A_447 = vector.shape_cast %swap3A_446 : vector<1x16xf32> to vector<16xf32>
    %swap3A_448 = vector.shape_cast %get3A_442 : vector<16xf32> to vector<1x16xf32>
    tpu.vector_store %arg7[%swap3A_444, %swap3A_445], %swap3A_448 {strides = array<i32>} : memref<512x64xf32, #tpu.memory_space<vmem>>, vector<1x16xf32>,
    %get3A_449 = arith.constant 7 : i32
    %get3A_450 = arith.index_cast %get3A_449 : i32 to index
    %get3A_451 = arith.constant 32 : index
    %get3A_452 = tpu.vector_load %arg9[%get3A_450, %get3A_451] {strides = array<i32>} : memref<10x64xf32, #tpu.memory_space<vmem>>, vector<1x16xf32>,
    %get3A_453 = vector.shape_cast %get3A_452 : vector<1x16xf32> to vector<16xf32>
    %swap3A_454 = arith.constant 7 : i32
    %swap3A_455 = arith.index_cast %swap3A_454 : i32 to index
    %swap3A_456 = arith.constant 32 : index
    %swap3A_457 = tpu.vector_load %arg7[%swap3A_455, %swap3A_456] {strides = array<i32>} : memref<512x64xf32, #tpu.memory_space<vmem>>, vector<1x16xf32>,
    %swap3A_458 = vector.shape_cast %swap3A_457 : vector<1x16xf32> to vector<16xf32>
    %swap3A_459 = vector.shape_cast %get3A_453 : vector<16xf32> to vector<1x16xf32>
    tpu.vector_store %arg7[%swap3A_455, %swap3A_456], %swap3A_459 {strides = array<i32>} : memref<512x64xf32, #tpu.memory_space<vmem>>, vector<1x16xf32>,
    %get3A_460 = arith.constant 7 : i32
    %get3A_461 = arith.index_cast %get3A_460 : i32 to index
    %get3A_462 = arith.constant 48 : index
    %get3A_463 = tpu.vector_load %arg9[%get3A_461, %get3A_462] {strides = array<i32>} : memref<10x64xf32, #tpu.memory_space<vmem>>, vector<1x16xf32>,
    %get3A_464 = vector.shape_cast %get3A_463 : vector<1x16xf32> to vector<16xf32>
    %swap3A_465 = arith.constant 7 : i32
    %swap3A_466 = arith.index_cast %swap3A_465 : i32 to index
    %swap3A_467 = arith.constant 48 : index
    %swap3A_468 = tpu.vector_load %arg7[%swap3A_466, %swap3A_467] {strides = array<i32>} : memref<512x64xf32, #tpu.memory_space<vmem>>, vector<1x16xf32>,
    %swap3A_469 = vector.shape_cast %swap3A_468 : vector<1x16xf32> to vector<16xf32>
    %swap3A_470 = vector.shape_cast %get3A_464 : vector<16xf32> to vector<1x16xf32>
    tpu.vector_store %arg7[%swap3A_466, %swap3A_467], %swap3A_470 {strides = array<i32>} : memref<512x64xf32, #tpu.memory_space<vmem>>, vector<1x16xf32>,
    %get3A_471 = arith.constant 8 : i32
    %get3A_472 = arith.index_cast %get3A_471 : i32 to index
    %get3A_473 = arith.constant 0 : index
    %get3A_474 = tpu.vector_load %arg9[%get3A_472, %get3A_473] {strides = array<i32>} : memref<10x64xf32, #tpu.memory_space<vmem>>, vector<1x16xf32>,
    %get3A_475 = vector.shape_cast %get3A_474 : vector<1x16xf32> to vector<16xf32>
    %swap3A_476 = arith.constant 8 : i32
    %swap3A_477 = arith.index_cast %swap3A_476 : i32 to index
    %swap3A_478 = arith.constant 0 : index
    %swap3A_479 = tpu.vector_load %arg7[%swap3A_477, %swap3A_478] {strides = array<i32>} : memref<512x64xf32, #tpu.memory_space<vmem>>, vector<1x16xf32>,
    %swap3A_480 = vector.shape_cast %swap3A_479 : vector<1x16xf32> to vector<16xf32>
    %swap3A_481 = vector.shape_cast %get3A_475 : vector<16xf32> to vector<1x16xf32>
    tpu.vector_store %arg7[%swap3A_477, %swap3A_478], %swap3A_481 {strides = array<i32>} : memref<512x64xf32, #tpu.memory_space<vmem>>, vector<1x16xf32>,
    %get3A_482 = arith.constant 8 : i32
    %get3A_483 = arith.index_cast %get3A_482 : i32 to index
    %get3A_484 = arith.constant 16 : index
    %get3A_485 = tpu.vector_load %arg9[%get3A_483, %get3A_484] {strides = array<i32>} : memref<10x64xf32, #tpu.memory_space<vmem>>, vector<1x16xf32>,
    %get3A_486 = vector.shape_cast %get3A_485 : vector<1x16xf32> to vector<16xf32>
    %swap3A_487 = arith.constant 8 : i32
    %swap3A_488 = arith.index_cast %swap3A_487 : i32 to index
    %swap3A_489 = arith.constant 16 : index
    %swap3A_490 = tpu.vector_load %arg7[%swap3A_488, %swap3A_489] {strides = array<i32>} : memref<512x64xf32, #tpu.memory_space<vmem>>, vector<1x16xf32>,
    %swap3A_491 = vector.shape_cast %swap3A_490 : vector<1x16xf32> to vector<16xf32>
    %swap3A_492 = vector.shape_cast %get3A_486 : vector<16xf32> to vector<1x16xf32>
    tpu.vector_store %arg7[%swap3A_488, %swap3A_489], %swap3A_492 {strides = array<i32>} : memref<512x64xf32, #tpu.memory_space<vmem>>, vector<1x16xf32>,
    %get3A_493 = arith.constant 8 : i32
    %get3A_494 = arith.index_cast %get3A_493 : i32 to index
    %get3A_495 = arith.constant 32 : index
    %get3A_496 = tpu.vector_load %arg9[%get3A_494, %get3A_495] {strides = array<i32>} : memref<10x64xf32, #tpu.memory_space<vmem>>, vector<1x16xf32>,
    %get3A_497 = vector.shape_cast %get3A_496 : vector<1x16xf32> to vector<16xf32>
    %swap3A_498 = arith.constant 8 : i32
    %swap3A_499 = arith.index_cast %swap3A_498 : i32 to index
    %swap3A_500 = arith.constant 32 : index
    %swap3A_501 = tpu.vector_load %arg7[%swap3A_499, %swap3A_500] {strides = array<i32>} : memref<512x64xf32, #tpu.memory_space<vmem>>, vector<1x16xf32>,
    %swap3A_502 = vector.shape_cast %swap3A_501 : vector<1x16xf32> to vector<16xf32>
    %swap3A_503 = vector.shape_cast %get3A_497 : vector<16xf32> to vector<1x16xf32>
    tpu.vector_store %arg7[%swap3A_499, %swap3A_500], %swap3A_503 {strides = array<i32>} : memref<512x64xf32, #tpu.memory_space<vmem>>, vector<1x16xf32>,
    %get3A_504 = arith.constant 8 : i32
    %get3A_505 = arith.index_cast %get3A_504 : i32 to index
    %get3A_506 = arith.constant 48 : index
    %get3A_507 = tpu.vector_load %arg9[%get3A_505, %get3A_506] {strides = array<i32>} : memref<10x64xf32, #tpu.memory_space<vmem>>, vector<1x16xf32>,
    %get3A_508 = vector.shape_cast %get3A_507 : vector<1x16xf32> to vector<16xf32>
    %swap3A_509 = arith.constant 8 : i32
    %swap3A_510 = arith.index_cast %swap3A_509 : i32 to index
    %swap3A_511 = arith.constant 48 : index
    %swap3A_512 = tpu.vector_load %arg7[%swap3A_510, %swap3A_511] {strides = array<i32>} : memref<512x64xf32, #tpu.memory_space<vmem>>, vector<1x16xf32>,
    %swap3A_513 = vector.shape_cast %swap3A_512 : vector<1x16xf32> to vector<16xf32>
    %swap3A_514 = vector.shape_cast %get3A_508 : vector<16xf32> to vector<1x16xf32>
    tpu.vector_store %arg7[%swap3A_510, %swap3A_511], %swap3A_514 {strides = array<i32>} : memref<512x64xf32, #tpu.memory_space<vmem>>, vector<1x16xf32>,
    %get3A_515 = arith.constant 9 : i32
    %get3A_516 = arith.index_cast %get3A_515 : i32 to index
    %get3A_517 = arith.constant 0 : index
    %get3A_518 = tpu.vector_load %arg9[%get3A_516, %get3A_517] {strides = array<i32>} : memref<10x64xf32, #tpu.memory_space<vmem>>, vector<1x16xf32>,
    %get3A_519 = vector.shape_cast %get3A_518 : vector<1x16xf32> to vector<16xf32>
    %swap3A_520 = arith.constant 9 : i32
    %swap3A_521 = arith.index_cast %swap3A_520 : i32 to index
    %swap3A_522 = arith.constant 0 : index
    %swap3A_523 = tpu.vector_load %arg7[%swap3A_521, %swap3A_522] {strides = array<i32>} : memref<512x64xf32, #tpu.memory_space<vmem>>, vector<1x16xf32>,
    %swap3A_524 = vector.shape_cast %swap3A_523 : vector<1x16xf32> to vector<16xf32>
    %swap3A_525 = vector.shape_cast %get3A_519 : vector<16xf32> to vector<1x16xf32>
    tpu.vector_store %arg7[%swap3A_521, %swap3A_522], %swap3A_525 {strides = array<i32>} : memref<512x64xf32, #tpu.memory_space<vmem>>, vector<1x16xf32>,
    %get3A_526 = arith.constant 9 : i32
    %get3A_527 = arith.index_cast %get3A_526 : i32 to index
    %get3A_528 = arith.constant 16 : index
    %get3A_529 = tpu.vector_load %arg9[%get3A_527, %get3A_528] {strides = array<i32>} : memref<10x64xf32, #tpu.memory_space<vmem>>, vector<1x16xf32>,
    %get3A_530 = vector.shape_cast %get3A_529 : vector<1x16xf32> to vector<16xf32>
    %swap3A_531 = arith.constant 9 : i32
    %swap3A_532 = arith.index_cast %swap3A_531 : i32 to index
    %swap3A_533 = arith.constant 16 : index
    %swap3A_534 = tpu.vector_load %arg7[%swap3A_532, %swap3A_533] {strides = array<i32>} : memref<512x64xf32, #tpu.memory_space<vmem>>, vector<1x16xf32>,
    %swap3A_535 = vector.shape_cast %swap3A_534 : vector<1x16xf32> to vector<16xf32>
    %swap3A_536 = vector.shape_cast %get3A_530 : vector<16xf32> to vector<1x16xf32>
    tpu.vector_store %arg7[%swap3A_532, %swap3A_533], %swap3A_536 {strides = array<i32>} : memref<512x64xf32, #tpu.memory_space<vmem>>, vector<1x16xf32>,
    %get3A_537 = arith.constant 9 : i32
    %get3A_538 = arith.index_cast %get3A_537 : i32 to index
    %get3A_539 = arith.constant 32 : index
    %get3A_540 = tpu.vector_load %arg9[%get3A_538, %get3A_539] {strides = array<i32>} : memref<10x64xf32, #tpu.memory_space<vmem>>, vector<1x16xf32>,
    %get3A_541 = vector.shape_cast %get3A_540 : vector<1x16xf32> to vector<16xf32>
    %swap3A_542 = arith.constant 9 : i32
    %swap3A_543 = arith.index_cast %swap3A_542 : i32 to index
    %swap3A_544 = arith.constant 32 : index
    %swap3A_545 = tpu.vector_load %arg7[%swap3A_543, %swap3A_544] {strides = array<i32>} : memref<512x64xf32, #tpu.memory_space<vmem>>, vector<1x16xf32>,
    %swap3A_546 = vector.shape_cast %swap3A_545 : vector<1x16xf32> to vector<16xf32>
    %swap3A_547 = vector.shape_cast %get3A_541 : vector<16xf32> to vector<1x16xf32>
    tpu.vector_store %arg7[%swap3A_543, %swap3A_544], %swap3A_547 {strides = array<i32>} : memref<512x64xf32, #tpu.memory_space<vmem>>, vector<1x16xf32>,
    %get3A_548 = arith.constant 9 : i32
    %get3A_549 = arith.index_cast %get3A_548 : i32 to index
    %get3A_550 = arith.constant 48 : index
    %get3A_551 = tpu.vector_load %arg9[%get3A_549, %get3A_550] {strides = array<i32>} : memref<10x64xf32, #tpu.memory_space<vmem>>, vector<1x16xf32>,
    %get3A_552 = vector.shape_cast %get3A_551 : vector<1x16xf32> to vector<16xf32>
    %swap3A_553 = arith.constant 9 : i32
    %swap3A_554 = arith.index_cast %swap3A_553 : i32 to index
    %swap3A_555 = arith.constant 48 : index
    %swap3A_556 = tpu.vector_load %arg7[%swap3A_554, %swap3A_555] {strides = array<i32>} : memref<512x64xf32, #tpu.memory_space<vmem>>, vector<1x16xf32>,
    %swap3A_557 = vector.shape_cast %swap3A_556 : vector<1x16xf32> to vector<16xf32>
    %swap3A_558 = vector.shape_cast %get3A_552 : vector<16xf32> to vector<1x16xf32>
    tpu.vector_store %arg7[%swap3A_554, %swap3A_555], %swap3A_558 {strides = array<i32>} : memref<512x64xf32, #tpu.memory_space<vmem>>, vector<1x16xf32>,
    %add3A_559 = arith.constant 0 : i32
    %add3A_560 = arith.addi %mul3A_2, %add3A_559 : i32
    %dma_start3A_561 = arith.constant 0 : i32
    %dma_start3A_562 = tpu.memref_slice %arg5[%add3A_560, %dma_start3A_561] : memref<65536x64xf32, #tpu.memory_space<hbm>> -> memref<512x64xf32, #tpu.memory_space<hbm>>
    %dma_start3A_563 = arith.constant 0 : i32
    %dma_start3A_564 = tpu.memref_slice %arg5[%add3A_560, %dma_start3A_563] : memref<65536x64xf32, #tpu.memory_space<hbm>> -> memref<512x64xf32, #tpu.memory_space<hbm>>
    tpu.enqueue_dma source(%arg7 : memref<512x64xf32, #tpu.memory_space<vmem>>) target(%dma_start3A_564 : memref<512x64xf32, #tpu.memory_space<hbm>>) target_semaphore(%arg12 : memref<!tpu.dma_semaphore, #tpu.memory_space<semaphore_mem>>)
    %dma_wait3A_565 = arith.constant 4 : i32
    %dma_wait3A_566 = arith.constant 0 : i32
    %dma_wait3A_567 = arith.constant 0 : i32
    %dma_wait3A_568 = tpu.memref_slice %arg8[%dma_wait3A_566, %dma_wait3A_567] : memref<512x64xf32, #tpu.memory_space<vmem>> -> memref<128x64xf32, #tpu.memory_space<vmem>>
    %dma_wait3A_569 = arith.constant 0 : i32
    %dma_wait3A_570 = tpu.memref_slice %arg6[%dma_wait3A_565, %dma_wait3A_569] : memref<16x128xi32, #tpu.memory_space<vmem>> -> memref<1x128xi32, #tpu.memory_space<vmem>>
    %dma_wait3A_571 = tpu.memref_squeeze %dma_wait3A_570 : memref<1x128xi32, #tpu.memory_space<vmem>> -> memref<128xi32, #tpu.memory_space<vmem>>
    %dma_wait3A_572 = arith.constant 0 : i32
    %dma_wait3A_573 = arith.constant 0 : i32
    %dma_wait3A_574 = tpu.memref_slice %arg3[%dma_wait3A_572, %dma_wait3A_573] : memref<100000x64xf32, #tpu.memory_space<hbm>> -> memref<100000x64xf32, #tpu.memory_space<hbm>>
    tpu.wait_indirect_dma semaphore(%arg11 : memref<!tpu.dma_semaphore, #tpu.memory_space<semaphore_mem>>) src(%dma_wait3A_574 : memref<100000x64xf32, #tpu.memory_space<hbm>>) dst(%dma_wait3A_568 : memref<128x64xf32, #tpu.memory_space<vmem>>)
    %dma_wait3A_575 = arith.constant 5 : i32
    %dma_wait3A_576 = arith.constant 128 : i32
    %dma_wait3A_577 = arith.constant 0 : i32
    %dma_wait3A_578 = tpu.memref_slice %arg8[%dma_wait3A_576, %dma_wait3A_577] : memref<512x64xf32, #tpu.memory_space<vmem>> -> memref<128x64xf32, #tpu.memory_space<vmem>>
    %dma_wait3A_579 = arith.constant 0 : i32
    %dma_wait3A_580 = tpu.memref_slice %arg6[%dma_wait3A_575, %dma_wait3A_579] : memref<16x128xi32, #tpu.memory_space<vmem>> -> memref<1x128xi32, #tpu.memory_space<vmem>>
    %dma_wait3A_581 = tpu.memref_squeeze %dma_wait3A_580 : memref<1x128xi32, #tpu.memory_space<vmem>> -> memref<128xi32, #tpu.memory_space<vmem>>
    %dma_wait3A_582 = arith.constant 0 : i32
    %dma_wait3A_583 = arith.constant 0 : i32
    %dma_wait3A_584 = tpu.memref_slice %arg3[%dma_wait3A_582, %dma_wait3A_583] : memref<100000x64xf32, #tpu.memory_space<hbm>> -> memref<100000x64xf32, #tpu.memory_space<hbm>>
    tpu.wait_indirect_dma semaphore(%arg11 : memref<!tpu.dma_semaphore, #tpu.memory_space<semaphore_mem>>) src(%dma_wait3A_584 : memref<100000x64xf32, #tpu.memory_space<hbm>>) dst(%dma_wait3A_578 : memref<128x64xf32, #tpu.memory_space<vmem>>)
    %dma_wait3A_585 = arith.constant 6 : i32
    %dma_wait3A_586 = arith.constant 256 : i32
    %dma_wait3A_587 = arith.constant 0 : i32
    %dma_wait3A_588 = tpu.memref_slice %arg8[%dma_wait3A_586, %dma_wait3A_587] : memref<512x64xf32, #tpu.memory_space<vmem>> -> memref<128x64xf32, #tpu.memory_space<vmem>>
    %dma_wait3A_589 = arith.constant 0 : i32
    %dma_wait3A_590 = tpu.memref_slice %arg6[%dma_wait3A_585, %dma_wait3A_589] : memref<16x128xi32, #tpu.memory_space<vmem>> -> memref<1x128xi32, #tpu.memory_space<vmem>>
    %dma_wait3A_591 = tpu.memref_squeeze %dma_wait3A_590 : memref<1x128xi32, #tpu.memory_space<vmem>> -> memref<128xi32, #tpu.memory_space<vmem>>
    %dma_wait3A_592 = arith.constant 0 : i32
    %dma_wait3A_593 = arith.constant 0 : i32
    %dma_wait3A_594 = tpu.memref_slice %arg3[%dma_wait3A_592, %dma_wait3A_593] : memref<100000x64xf32, #tpu.memory_space<hbm>> -> memref<100000x64xf32, #tpu.memory_space<hbm>>
    tpu.wait_indirect_dma semaphore(%arg11 : memref<!tpu.dma_semaphore, #tpu.memory_space<semaphore_mem>>) src(%dma_wait3A_594 : memref<100000x64xf32, #tpu.memory_space<hbm>>) dst(%dma_wait3A_588 : memref<128x64xf32, #tpu.memory_space<vmem>>)
    %dma_wait3A_595 = arith.constant 7 : i32
    %dma_wait3A_596 = arith.constant 384 : i32
    %dma_wait3A_597 = arith.constant 0 : i32
    %dma_wait3A_598 = tpu.memref_slice %arg8[%dma_wait3A_596, %dma_wait3A_597] : memref<512x64xf32, #tpu.memory_space<vmem>> -> memref<128x64xf32, #tpu.memory_space<vmem>>
    %dma_wait3A_599 = arith.constant 0 : i32
    %dma_wait3A_600 = tpu.memref_slice %arg6[%dma_wait3A_595, %dma_wait3A_599] : memref<16x128xi32, #tpu.memory_space<vmem>> -> memref<1x128xi32, #tpu.memory_space<vmem>>
    %dma_wait3A_601 = tpu.memref_squeeze %dma_wait3A_600 : memref<1x128xi32, #tpu.memory_space<vmem>> -> memref<128xi32, #tpu.memory_space<vmem>>
    %dma_wait3A_602 = arith.constant 0 : i32
    %dma_wait3A_603 = arith.constant 0 : i32
    %dma_wait3A_604 = tpu.memref_slice %arg3[%dma_wait3A_602, %dma_wait3A_603] : memref<100000x64xf32, #tpu.memory_space<hbm>> -> memref<100000x64xf32, #tpu.memory_space<hbm>>
    tpu.wait_indirect_dma semaphore(%arg11 : memref<!tpu.dma_semaphore, #tpu.memory_space<semaphore_mem>>) src(%dma_wait3A_604 : memref<100000x64xf32, #tpu.memory_space<hbm>>) dst(%dma_wait3A_598 : memref<128x64xf32, #tpu.memory_space<vmem>>)
    %dma_wait3A_605 = arith.constant 0 : i32
    %dma_wait3A_606 = tpu.memref_slice %arg5[%add3A_560, %dma_wait3A_605] : memref<65536x64xf32, #tpu.memory_space<hbm>> -> memref<512x64xf32, #tpu.memory_space<hbm>>
    %dma_wait3A_607 = arith.constant 0 : i32
    %dma_wait3A_608 = tpu.memref_slice %arg5[%add3A_560, %dma_wait3A_607] : memref<65536x64xf32, #tpu.memory_space<hbm>> -> memref<512x64xf32, #tpu.memory_space<hbm>>
    tpu.wait_dma2 semaphore(%arg12 : memref<!tpu.dma_semaphore, #tpu.memory_space<semaphore_mem>>) src(%arg7 : memref<512x64xf32, #tpu.memory_space<vmem>>) dst(%dma_wait3A_608 : memref<512x64xf32, #tpu.memory_space<hbm>>)
    %dma_start3A_609 = arith.constant 8 : i32
    %dma_start3A_610 = arith.constant 0 : i32
    %dma_start3A_611 = arith.constant 0 : i32
    %dma_start3A_612 = tpu.memref_slice %arg7[%dma_start3A_610, %dma_start3A_611] : memref<512x64xf32, #tpu.memory_space<vmem>> -> memref<128x64xf32, #tpu.memory_space<vmem>>
    %dma_start3A_613 = arith.constant 0 : i32
    %dma_start3A_614 = tpu.memref_slice %arg6[%dma_start3A_609, %dma_start3A_613] : memref<16x128xi32, #tpu.memory_space<vmem>> -> memref<1x128xi32, #tpu.memory_space<vmem>>
    %dma_start3A_615 = tpu.memref_squeeze %dma_start3A_614 : memref<1x128xi32, #tpu.memory_space<vmem>> -> memref<128xi32, #tpu.memory_space<vmem>>
    %dma_start3A_616 = arith.constant 0 : i32
    %dma_start3A_617 = arith.constant 0 : i32
    %dma_start3A_618 = tpu.memref_slice %arg3[%dma_start3A_616, %dma_start3A_617] : memref<100000x64xf32, #tpu.memory_space<hbm>> -> memref<100000x64xf32, #tpu.memory_space<hbm>>
    tpu.enqueue_indirect_dma source(%dma_start3A_618 : memref<100000x64xf32, #tpu.memory_space<hbm>>) target(%dma_start3A_612 : memref<128x64xf32, #tpu.memory_space<vmem>>) offsets(%dma_start3A_615 : memref<128xi32, #tpu.memory_space<vmem>>) semaphore(%arg10 : memref<!tpu.dma_semaphore, #tpu.memory_space<semaphore_mem>>)
    %dma_start3A_619 = arith.constant 9 : i32
    %dma_start3A_620 = arith.constant 128 : i32
    %dma_start3A_621 = arith.constant 0 : i32
    %dma_start3A_622 = tpu.memref_slice %arg7[%dma_start3A_620, %dma_start3A_621] : memref<512x64xf32, #tpu.memory_space<vmem>> -> memref<128x64xf32, #tpu.memory_space<vmem>>
    %dma_start3A_623 = arith.constant 0 : i32
    %dma_start3A_624 = tpu.memref_slice %arg6[%dma_start3A_619, %dma_start3A_623] : memref<16x128xi32, #tpu.memory_space<vmem>> -> memref<1x128xi32, #tpu.memory_space<vmem>>
    %dma_start3A_625 = tpu.memref_squeeze %dma_start3A_624 : memref<1x128xi32, #tpu.memory_space<vmem>> -> memref<128xi32, #tpu.memory_space<vmem>>
    %dma_start3A_626 = arith.constant 0 : i32
    %dma_start3A_627 = arith.constant 0 : i32
    %dma_start3A_628 = tpu.memref_slice %arg3[%dma_start3A_626, %dma_start3A_627] : memref<100000x64xf32, #tpu.memory_space<hbm>> -> memref<100000x64xf32, #tpu.memory_space<hbm>>
    tpu.enqueue_indirect_dma source(%dma_start3A_628 : memref<100000x64xf32, #tpu.memory_space<hbm>>) target(%dma_start3A_622 : memref<128x64xf32, #tpu.memory_space<vmem>>) offsets(%dma_start3A_625 : memref<128xi32, #tpu.memory_space<vmem>>) semaphore(%arg10 : memref<!tpu.dma_semaphore, #tpu.memory_space<semaphore_mem>>)
    %dma_start3A_629 = arith.constant 10 : i32
    %dma_start3A_630 = arith.constant 256 : i32
    %dma_start3A_631 = arith.constant 0 : i32
    %dma_start3A_632 = tpu.memref_slice %arg7[%dma_start3A_630, %dma_start3A_631] : memref<512x64xf32, #tpu.memory_space<vmem>> -> memref<128x64xf32, #tpu.memory_space<vmem>>
    %dma_start3A_633 = arith.constant 0 : i32
    %dma_start3A_634 = tpu.memref_slice %arg6[%dma_start3A_629, %dma_start3A_633] : memref<16x128xi32, #tpu.memory_space<vmem>> -> memref<1x128xi32, #tpu.memory_space<vmem>>
    %dma_start3A_635 = tpu.memref_squeeze %dma_start3A_634 : memref<1x128xi32, #tpu.memory_space<vmem>> -> memref<128xi32, #tpu.memory_space<vmem>>
    %dma_start3A_636 = arith.constant 0 : i32
    %dma_start3A_637 = arith.constant 0 : i32
    %dma_start3A_638 = tpu.memref_slice %arg3[%dma_start3A_636, %dma_start3A_637] : memref<100000x64xf32, #tpu.memory_space<hbm>> -> memref<100000x64xf32, #tpu.memory_space<hbm>>
    tpu.enqueue_indirect_dma source(%dma_start3A_638 : memref<100000x64xf32, #tpu.memory_space<hbm>>) target(%dma_start3A_632 : memref<128x64xf32, #tpu.memory_space<vmem>>) offsets(%dma_start3A_635 : memref<128xi32, #tpu.memory_space<vmem>>) semaphore(%arg10 : memref<!tpu.dma_semaphore, #tpu.memory_space<semaphore_mem>>)
    %dma_start3A_639 = arith.constant 11 : i32
    %dma_start3A_640 = arith.constant 384 : i32
    %dma_start3A_641 = arith.constant 0 : i32
    %dma_start3A_642 = tpu.memref_slice %arg7[%dma_start3A_640, %dma_start3A_641] : memref<512x64xf32, #tpu.memory_space<vmem>> -> memref<128x64xf32, #tpu.memory_space<vmem>>
    %dma_start3A_643 = arith.constant 0 : i32
    %dma_start3A_644 = tpu.memref_slice %arg6[%dma_start3A_639, %dma_start3A_643] : memref<16x128xi32, #tpu.memory_space<vmem>> -> memref<1x128xi32, #tpu.memory_space<vmem>>
    %dma_start3A_645 = tpu.memref_squeeze %dma_start3A_644 : memref<1x128xi32, #tpu.memory_space<vmem>> -> memref<128xi32, #tpu.memory_space<vmem>>
    %dma_start3A_646 = arith.constant 0 : i32
    %dma_start3A_647 = arith.constant 0 : i32
    %dma_start3A_648 = tpu.memref_slice %arg3[%dma_start3A_646, %dma_start3A_647] : memref<100000x64xf32, #tpu.memory_space<hbm>> -> memref<100000x64xf32, #tpu.memory_space<hbm>>
    tpu.enqueue_indirect_dma source(%dma_start3A_648 : memref<100000x64xf32, #tpu.memory_space<hbm>>) target(%dma_start3A_642 : memref<128x64xf32, #tpu.memory_space<vmem>>) offsets(%dma_start3A_645 : memref<128xi32, #tpu.memory_space<vmem>>) semaphore(%arg10 : memref<!tpu.dma_semaphore, #tpu.memory_space<semaphore_mem>>)
    %add3A_649 = arith.constant 512 : i32
    %add3A_650 = arith.addi %mul3A_2, %add3A_649 : i32
    %dma_start3A_651 = arith.constant 0 : i32
    %dma_start3A_652 = tpu.memref_slice %arg5[%add3A_650, %dma_start3A_651] : memref<65536x64xf32, #tpu.memory_space<hbm>> -> memref<512x64xf32, #tpu.memory_space<hbm>>
    %dma_start3A_653 = arith.constant 0 : i32
    %dma_start3A_654 = tpu.memref_slice %arg5[%add3A_650, %dma_start3A_653] : memref<65536x64xf32, #tpu.memory_space<hbm>> -> memref<512x64xf32, #tpu.memory_space<hbm>>
    tpu.enqueue_dma source(%arg8 : memref<512x64xf32, #tpu.memory_space<vmem>>) target(%dma_start3A_654 : memref<512x64xf32, #tpu.memory_space<hbm>>) target_semaphore(%arg13 : memref<!tpu.dma_semaphore, #tpu.memory_space<semaphore_mem>>)
    %dma_wait3A_655 = arith.constant 8 : i32
    %dma_wait3A_656 = arith.constant 0 : i32
    %dma_wait3A_657 = arith.constant 0 : i32
    %dma_wait3A_658 = tpu.memref_slice %arg7[%dma_wait3A_656, %dma_wait3A_657] : memref<512x64xf32, #tpu.memory_space<vmem>> -> memref<128x64xf32, #tpu.memory_space<vmem>>
    %dma_wait3A_659 = arith.constant 0 : i32
    %dma_wait3A_660 = tpu.memref_slice %arg6[%dma_wait3A_655, %dma_wait3A_659] : memref<16x128xi32, #tpu.memory_space<vmem>> -> memref<1x128xi32, #tpu.memory_space<vmem>>
    %dma_wait3A_661 = tpu.memref_squeeze %dma_wait3A_660 : memref<1x128xi32, #tpu.memory_space<vmem>> -> memref<128xi32, #tpu.memory_space<vmem>>
    %dma_wait3A_662 = arith.constant 0 : i32
    %dma_wait3A_663 = arith.constant 0 : i32
    %dma_wait3A_664 = tpu.memref_slice %arg3[%dma_wait3A_662, %dma_wait3A_663] : memref<100000x64xf32, #tpu.memory_space<hbm>> -> memref<100000x64xf32, #tpu.memory_space<hbm>>
    tpu.wait_indirect_dma semaphore(%arg10 : memref<!tpu.dma_semaphore, #tpu.memory_space<semaphore_mem>>) src(%dma_wait3A_664 : memref<100000x64xf32, #tpu.memory_space<hbm>>) dst(%dma_wait3A_658 : memref<128x64xf32, #tpu.memory_space<vmem>>)
    %dma_wait3A_665 = arith.constant 9 : i32
    %dma_wait3A_666 = arith.constant 128 : i32
    %dma_wait3A_667 = arith.constant 0 : i32
    %dma_wait3A_668 = tpu.memref_slice %arg7[%dma_wait3A_666, %dma_wait3A_667] : memref<512x64xf32, #tpu.memory_space<vmem>> -> memref<128x64xf32, #tpu.memory_space<vmem>>
    %dma_wait3A_669 = arith.constant 0 : i32
    %dma_wait3A_670 = tpu.memref_slice %arg6[%dma_wait3A_665, %dma_wait3A_669] : memref<16x128xi32, #tpu.memory_space<vmem>> -> memref<1x128xi32, #tpu.memory_space<vmem>>
    %dma_wait3A_671 = tpu.memref_squeeze %dma_wait3A_670 : memref<1x128xi32, #tpu.memory_space<vmem>> -> memref<128xi32, #tpu.memory_space<vmem>>
    %dma_wait3A_672 = arith.constant 0 : i32
    %dma_wait3A_673 = arith.constant 0 : i32
    %dma_wait3A_674 = tpu.memref_slice %arg3[%dma_wait3A_672, %dma_wait3A_673] : memref<100000x64xf32, #tpu.memory_space<hbm>> -> memref<100000x64xf32, #tpu.memory_space<hbm>>
    tpu.wait_indirect_dma semaphore(%arg10 : memref<!tpu.dma_semaphore, #tpu.memory_space<semaphore_mem>>) src(%dma_wait3A_674 : memref<100000x64xf32, #tpu.memory_space<hbm>>) dst(%dma_wait3A_668 : memref<128x64xf32, #tpu.memory_space<vmem>>)
    %dma_wait3A_675 = arith.constant 10 : i32
    %dma_wait3A_676 = arith.constant 256 : i32
    %dma_wait3A_677 = arith.constant 0 : i32
    %dma_wait3A_678 = tpu.memref_slice %arg7[%dma_wait3A_676, %dma_wait3A_677] : memref<512x64xf32, #tpu.memory_space<vmem>> -> memref<128x64xf32, #tpu.memory_space<vmem>>
    %dma_wait3A_679 = arith.constant 0 : i32
    %dma_wait3A_680 = tpu.memref_slice %arg6[%dma_wait3A_675, %dma_wait3A_679] : memref<16x128xi32, #tpu.memory_space<vmem>> -> memref<1x128xi32, #tpu.memory_space<vmem>>
    %dma_wait3A_681 = tpu.memref_squeeze %dma_wait3A_680 : memref<1x128xi32, #tpu.memory_space<vmem>> -> memref<128xi32, #tpu.memory_space<vmem>>
    %dma_wait3A_682 = arith.constant 0 : i32
    %dma_wait3A_683 = arith.constant 0 : i32
    %dma_wait3A_684 = tpu.memref_slice %arg3[%dma_wait3A_682, %dma_wait3A_683] : memref<100000x64xf32, #tpu.memory_space<hbm>> -> memref<100000x64xf32, #tpu.memory_space<hbm>>
    tpu.wait_indirect_dma semaphore(%arg10 : memref<!tpu.dma_semaphore, #tpu.memory_space<semaphore_mem>>) src(%dma_wait3A_684 : memref<100000x64xf32, #tpu.memory_space<hbm>>) dst(%dma_wait3A_678 : memref<128x64xf32, #tpu.memory_space<vmem>>)
    %dma_wait3A_685 = arith.constant 11 : i32
    %dma_wait3A_686 = arith.constant 384 : i32
    %dma_wait3A_687 = arith.constant 0 : i32
    %dma_wait3A_688 = tpu.memref_slice %arg7[%dma_wait3A_686, %dma_wait3A_687] : memref<512x64xf32, #tpu.memory_space<vmem>> -> memref<128x64xf32, #tpu.memory_space<vmem>>
    %dma_wait3A_689 = arith.constant 0 : i32
    %dma_wait3A_690 = tpu.memref_slice %arg6[%dma_wait3A_685, %dma_wait3A_689] : memref<16x128xi32, #tpu.memory_space<vmem>> -> memref<1x128xi32, #tpu.memory_space<vmem>>
    %dma_wait3A_691 = tpu.memref_squeeze %dma_wait3A_690 : memref<1x128xi32, #tpu.memory_space<vmem>> -> memref<128xi32, #tpu.memory_space<vmem>>
    %dma_wait3A_692 = arith.constant 0 : i32
    %dma_wait3A_693 = arith.constant 0 : i32
    %dma_wait3A_694 = tpu.memref_slice %arg3[%dma_wait3A_692, %dma_wait3A_693] : memref<100000x64xf32, #tpu.memory_space<hbm>> -> memref<100000x64xf32, #tpu.memory_space<hbm>>
    tpu.wait_indirect_dma semaphore(%arg10 : memref<!tpu.dma_semaphore, #tpu.memory_space<semaphore_mem>>) src(%dma_wait3A_694 : memref<100000x64xf32, #tpu.memory_space<hbm>>) dst(%dma_wait3A_688 : memref<128x64xf32, #tpu.memory_space<vmem>>)
    %dma_wait3A_695 = arith.constant 0 : i32
    %dma_wait3A_696 = tpu.memref_slice %arg5[%add3A_650, %dma_wait3A_695] : memref<65536x64xf32, #tpu.memory_space<hbm>> -> memref<512x64xf32, #tpu.memory_space<hbm>>
    %dma_wait3A_697 = arith.constant 0 : i32
    %dma_wait3A_698 = tpu.memref_slice %arg5[%add3A_650, %dma_wait3A_697] : memref<65536x64xf32, #tpu.memory_space<hbm>> -> memref<512x64xf32, #tpu.memory_space<hbm>>
    tpu.wait_dma2 semaphore(%arg13 : memref<!tpu.dma_semaphore, #tpu.memory_space<semaphore_mem>>) src(%arg8 : memref<512x64xf32, #tpu.memory_space<vmem>>) dst(%dma_wait3A_698 : memref<512x64xf32, #tpu.memory_space<hbm>>)
    %dma_start3A_699 = arith.constant 12 : i32
    %dma_start3A_700 = arith.constant 0 : i32
    %dma_start3A_701 = arith.constant 0 : i32
    %dma_start3A_702 = tpu.memref_slice %arg8[%dma_start3A_700, %dma_start3A_701] : memref<512x64xf32, #tpu.memory_space<vmem>> -> memref<128x64xf32, #tpu.memory_space<vmem>>
    %dma_start3A_703 = arith.constant 0 : i32
    %dma_start3A_704 = tpu.memref_slice %arg6[%dma_start3A_699, %dma_start3A_703] : memref<16x128xi32, #tpu.memory_space<vmem>> -> memref<1x128xi32, #tpu.memory_space<vmem>>
    %dma_start3A_705 = tpu.memref_squeeze %dma_start3A_704 : memref<1x128xi32, #tpu.memory_space<vmem>> -> memref<128xi32, #tpu.memory_space<vmem>>
    %dma_start3A_706 = arith.constant 0 : i32
    %dma_start3A_707 = arith.constant 0 : i32
    %dma_start3A_708 = tpu.memref_slice %arg3[%dma_start3A_706, %dma_start3A_707] : memref<100000x64xf32, #tpu.memory_space<hbm>> -> memref<100000x64xf32, #tpu.memory_space<hbm>>
    tpu.enqueue_indirect_dma source(%dma_start3A_708 : memref<100000x64xf32, #tpu.memory_space<hbm>>) target(%dma_start3A_702 : memref<128x64xf32, #tpu.memory_space<vmem>>) offsets(%dma_start3A_705 : memref<128xi32, #tpu.memory_space<vmem>>) semaphore(%arg11 : memref<!tpu.dma_semaphore, #tpu.memory_space<semaphore_mem>>)
    %dma_start3A_709 = arith.constant 13 : i32
    %dma_start3A_710 = arith.constant 128 : i32
    %dma_start3A_711 = arith.constant 0 : i32
    %dma_start3A_712 = tpu.memref_slice %arg8[%dma_start3A_710, %dma_start3A_711] : memref<512x64xf32, #tpu.memory_space<vmem>> -> memref<128x64xf32, #tpu.memory_space<vmem>>
    %dma_start3A_713 = arith.constant 0 : i32
    %dma_start3A_714 = tpu.memref_slice %arg6[%dma_start3A_709, %dma_start3A_713] : memref<16x128xi32, #tpu.memory_space<vmem>> -> memref<1x128xi32, #tpu.memory_space<vmem>>
    %dma_start3A_715 = tpu.memref_squeeze %dma_start3A_714 : memref<1x128xi32, #tpu.memory_space<vmem>> -> memref<128xi32, #tpu.memory_space<vmem>>
    %dma_start3A_716 = arith.constant 0 : i32
    %dma_start3A_717 = arith.constant 0 : i32
    %dma_start3A_718 = tpu.memref_slice %arg3[%dma_start3A_716, %dma_start3A_717] : memref<100000x64xf32, #tpu.memory_space<hbm>> -> memref<100000x64xf32, #tpu.memory_space<hbm>>
    tpu.enqueue_indirect_dma source(%dma_start3A_718 : memref<100000x64xf32, #tpu.memory_space<hbm>>) target(%dma_start3A_712 : memref<128x64xf32, #tpu.memory_space<vmem>>) offsets(%dma_start3A_715 : memref<128xi32, #tpu.memory_space<vmem>>) semaphore(%arg11 : memref<!tpu.dma_semaphore, #tpu.memory_space<semaphore_mem>>)
    %dma_start3A_719 = arith.constant 14 : i32
    %dma_start3A_720 = arith.constant 256 : i32
    %dma_start3A_721 = arith.constant 0 : i32
    %dma_start3A_722 = tpu.memref_slice %arg8[%dma_start3A_720, %dma_start3A_721] : memref<512x64xf32, #tpu.memory_space<vmem>> -> memref<128x64xf32, #tpu.memory_space<vmem>>
    %dma_start3A_723 = arith.constant 0 : i32
    %dma_start3A_724 = tpu.memref_slice %arg6[%dma_start3A_719, %dma_start3A_723] : memref<16x128xi32, #tpu.memory_space<vmem>> -> memref<1x128xi32, #tpu.memory_space<vmem>>
    %dma_start3A_725 = tpu.memref_squeeze %dma_start3A_724 : memref<1x128xi32, #tpu.memory_space<vmem>> -> memref<128xi32, #tpu.memory_space<vmem>>
    %dma_start3A_726 = arith.constant 0 : i32
    %dma_start3A_727 = arith.constant 0 : i32
    %dma_start3A_728 = tpu.memref_slice %arg3[%dma_start3A_726, %dma_start3A_727] : memref<100000x64xf32, #tpu.memory_space<hbm>> -> memref<100000x64xf32, #tpu.memory_space<hbm>>
    tpu.enqueue_indirect_dma source(%dma_start3A_728 : memref<100000x64xf32, #tpu.memory_space<hbm>>) target(%dma_start3A_722 : memref<128x64xf32, #tpu.memory_space<vmem>>) offsets(%dma_start3A_725 : memref<128xi32, #tpu.memory_space<vmem>>) semaphore(%arg11 : memref<!tpu.dma_semaphore, #tpu.memory_space<semaphore_mem>>)
    %dma_start3A_729 = arith.constant 15 : i32
    %dma_start3A_730 = arith.constant 384 : i32
    %dma_start3A_731 = arith.constant 0 : i32
    %dma_start3A_732 = tpu.memref_slice %arg8[%dma_start3A_730, %dma_start3A_731] : memref<512x64xf32, #tpu.memory_space<vmem>> -> memref<128x64xf32, #tpu.memory_space<vmem>>
    %dma_start3A_733 = arith.constant 0 : i32
    %dma_start3A_734 = tpu.memref_slice %arg6[%dma_start3A_729, %dma_start3A_733] : memref<16x128xi32, #tpu.memory_space<vmem>> -> memref<1x128xi32, #tpu.memory_space<vmem>>
    %dma_start3A_735 = tpu.memref_squeeze %dma_start3A_734 : memref<1x128xi32, #tpu.memory_space<vmem>> -> memref<128xi32, #tpu.memory_space<vmem>>
    %dma_start3A_736 = arith.constant 0 : i32
    %dma_start3A_737 = arith.constant 0 : i32
    %dma_start3A_738 = tpu.memref_slice %arg3[%dma_start3A_736, %dma_start3A_737] : memref<100000x64xf32, #tpu.memory_space<hbm>> -> memref<100000x64xf32, #tpu.memory_space<hbm>>
    tpu.enqueue_indirect_dma source(%dma_start3A_738 : memref<100000x64xf32, #tpu.memory_space<hbm>>) target(%dma_start3A_732 : memref<128x64xf32, #tpu.memory_space<vmem>>) offsets(%dma_start3A_735 : memref<128xi32, #tpu.memory_space<vmem>>) semaphore(%arg11 : memref<!tpu.dma_semaphore, #tpu.memory_space<semaphore_mem>>)
    %add3A_739 = arith.constant 1024 : i32
    %add3A_740 = arith.addi %mul3A_2, %add3A_739 : i32
    %dma_start3A_741 = arith.constant 0 : i32
    %dma_start3A_742 = tpu.memref_slice %arg5[%add3A_740, %dma_start3A_741] : memref<65536x64xf32, #tpu.memory_space<hbm>> -> memref<512x64xf32, #tpu.memory_space<hbm>>
    %dma_start3A_743 = arith.constant 0 : i32
    %dma_start3A_744 = tpu.memref_slice %arg5[%add3A_740, %dma_start3A_743] : memref<65536x64xf32, #tpu.memory_space<hbm>> -> memref<512x64xf32, #tpu.memory_space<hbm>>
    tpu.enqueue_dma source(%arg7 : memref<512x64xf32, #tpu.memory_space<vmem>>) target(%dma_start3A_744 : memref<512x64xf32, #tpu.memory_space<hbm>>) target_semaphore(%arg12 : memref<!tpu.dma_semaphore, #tpu.memory_space<semaphore_mem>>)
    %dma_wait3A_745 = arith.constant 12 : i32
    %dma_wait3A_746 = arith.constant 0 : i32
    %dma_wait3A_747 = arith.constant 0 : i32
    %dma_wait3A_748 = tpu.memref_slice %arg8[%dma_wait3A_746, %dma_wait3A_747] : memref<512x64xf32, #tpu.memory_space<vmem>> -> memref<128x64xf32, #tpu.memory_space<vmem>>
    %dma_wait3A_749 = arith.constant 0 : i32
    %dma_wait3A_750 = tpu.memref_slice %arg6[%dma_wait3A_745, %dma_wait3A_749] : memref<16x128xi32, #tpu.memory_space<vmem>> -> memref<1x128xi32, #tpu.memory_space<vmem>>
    %dma_wait3A_751 = tpu.memref_squeeze %dma_wait3A_750 : memref<1x128xi32, #tpu.memory_space<vmem>> -> memref<128xi32, #tpu.memory_space<vmem>>
    %dma_wait3A_752 = arith.constant 0 : i32
    %dma_wait3A_753 = arith.constant 0 : i32
    %dma_wait3A_754 = tpu.memref_slice %arg3[%dma_wait3A_752, %dma_wait3A_753] : memref<100000x64xf32, #tpu.memory_space<hbm>> -> memref<100000x64xf32, #tpu.memory_space<hbm>>
    tpu.wait_indirect_dma semaphore(%arg11 : memref<!tpu.dma_semaphore, #tpu.memory_space<semaphore_mem>>) src(%dma_wait3A_754 : memref<100000x64xf32, #tpu.memory_space<hbm>>) dst(%dma_wait3A_748 : memref<128x64xf32, #tpu.memory_space<vmem>>)
    %dma_wait3A_755 = arith.constant 13 : i32
    %dma_wait3A_756 = arith.constant 128 : i32
    %dma_wait3A_757 = arith.constant 0 : i32
    %dma_wait3A_758 = tpu.memref_slice %arg8[%dma_wait3A_756, %dma_wait3A_757] : memref<512x64xf32, #tpu.memory_space<vmem>> -> memref<128x64xf32, #tpu.memory_space<vmem>>
    %dma_wait3A_759 = arith.constant 0 : i32
    %dma_wait3A_760 = tpu.memref_slice %arg6[%dma_wait3A_755, %dma_wait3A_759] : memref<16x128xi32, #tpu.memory_space<vmem>> -> memref<1x128xi32, #tpu.memory_space<vmem>>
    %dma_wait3A_761 = tpu.memref_squeeze %dma_wait3A_760 : memref<1x128xi32, #tpu.memory_space<vmem>> -> memref<128xi32, #tpu.memory_space<vmem>>
    %dma_wait3A_762 = arith.constant 0 : i32
    %dma_wait3A_763 = arith.constant 0 : i32
    %dma_wait3A_764 = tpu.memref_slice %arg3[%dma_wait3A_762, %dma_wait3A_763] : memref<100000x64xf32, #tpu.memory_space<hbm>> -> memref<100000x64xf32, #tpu.memory_space<hbm>>
    tpu.wait_indirect_dma semaphore(%arg11 : memref<!tpu.dma_semaphore, #tpu.memory_space<semaphore_mem>>) src(%dma_wait3A_764 : memref<100000x64xf32, #tpu.memory_space<hbm>>) dst(%dma_wait3A_758 : memref<128x64xf32, #tpu.memory_space<vmem>>)
    %dma_wait3A_765 = arith.constant 14 : i32
    %dma_wait3A_766 = arith.constant 256 : i32
    %dma_wait3A_767 = arith.constant 0 : i32
    %dma_wait3A_768 = tpu.memref_slice %arg8[%dma_wait3A_766, %dma_wait3A_767] : memref<512x64xf32, #tpu.memory_space<vmem>> -> memref<128x64xf32, #tpu.memory_space<vmem>>
    %dma_wait3A_769 = arith.constant 0 : i32
    %dma_wait3A_770 = tpu.memref_slice %arg6[%dma_wait3A_765, %dma_wait3A_769] : memref<16x128xi32, #tpu.memory_space<vmem>> -> memref<1x128xi32, #tpu.memory_space<vmem>>
    %dma_wait3A_771 = tpu.memref_squeeze %dma_wait3A_770 : memref<1x128xi32, #tpu.memory_space<vmem>> -> memref<128xi32, #tpu.memory_space<vmem>>
    %dma_wait3A_772 = arith.constant 0 : i32
    %dma_wait3A_773 = arith.constant 0 : i32
    %dma_wait3A_774 = tpu.memref_slice %arg3[%dma_wait3A_772, %dma_wait3A_773] : memref<100000x64xf32, #tpu.memory_space<hbm>> -> memref<100000x64xf32, #tpu.memory_space<hbm>>
    tpu.wait_indirect_dma semaphore(%arg11 : memref<!tpu.dma_semaphore, #tpu.memory_space<semaphore_mem>>) src(%dma_wait3A_774 : memref<100000x64xf32, #tpu.memory_space<hbm>>) dst(%dma_wait3A_768 : memref<128x64xf32, #tpu.memory_space<vmem>>)
    %dma_wait3A_775 = arith.constant 15 : i32
    %dma_wait3A_776 = arith.constant 384 : i32
    %dma_wait3A_777 = arith.constant 0 : i32
    %dma_wait3A_778 = tpu.memref_slice %arg8[%dma_wait3A_776, %dma_wait3A_777] : memref<512x64xf32, #tpu.memory_space<vmem>> -> memref<128x64xf32, #tpu.memory_space<vmem>>
    %dma_wait3A_779 = arith.constant 0 : i32
    %dma_wait3A_780 = tpu.memref_slice %arg6[%dma_wait3A_775, %dma_wait3A_779] : memref<16x128xi32, #tpu.memory_space<vmem>> -> memref<1x128xi32, #tpu.memory_space<vmem>>
    %dma_wait3A_781 = tpu.memref_squeeze %dma_wait3A_780 : memref<1x128xi32, #tpu.memory_space<vmem>> -> memref<128xi32, #tpu.memory_space<vmem>>
    %dma_wait3A_782 = arith.constant 0 : i32
    %dma_wait3A_783 = arith.constant 0 : i32
    %dma_wait3A_784 = tpu.memref_slice %arg3[%dma_wait3A_782, %dma_wait3A_783] : memref<100000x64xf32, #tpu.memory_space<hbm>> -> memref<100000x64xf32, #tpu.memory_space<hbm>>
    tpu.wait_indirect_dma semaphore(%arg11 : memref<!tpu.dma_semaphore, #tpu.memory_space<semaphore_mem>>) src(%dma_wait3A_784 : memref<100000x64xf32, #tpu.memory_space<hbm>>) dst(%dma_wait3A_778 : memref<128x64xf32, #tpu.memory_space<vmem>>)
    %add3A_785 = arith.constant 1536 : i32
    %add3A_786 = arith.addi %mul3A_2, %add3A_785 : i32
    %dma_start3A_787 = arith.constant 0 : i32
    %dma_start3A_788 = tpu.memref_slice %arg5[%add3A_786, %dma_start3A_787] : memref<65536x64xf32, #tpu.memory_space<hbm>> -> memref<512x64xf32, #tpu.memory_space<hbm>>
    %dma_start3A_789 = arith.constant 0 : i32
    %dma_start3A_790 = tpu.memref_slice %arg5[%add3A_786, %dma_start3A_789] : memref<65536x64xf32, #tpu.memory_space<hbm>> -> memref<512x64xf32, #tpu.memory_space<hbm>>
    tpu.enqueue_dma source(%arg8 : memref<512x64xf32, #tpu.memory_space<vmem>>) target(%dma_start3A_790 : memref<512x64xf32, #tpu.memory_space<hbm>>) target_semaphore(%arg13 : memref<!tpu.dma_semaphore, #tpu.memory_space<semaphore_mem>>)
    %dma_wait3A_791 = arith.constant 0 : i32
    %dma_wait3A_792 = tpu.memref_slice %arg5[%add3A_740, %dma_wait3A_791] : memref<65536x64xf32, #tpu.memory_space<hbm>> -> memref<512x64xf32, #tpu.memory_space<hbm>>
    %dma_wait3A_793 = arith.constant 0 : i32
    %dma_wait3A_794 = tpu.memref_slice %arg5[%add3A_740, %dma_wait3A_793] : memref<65536x64xf32, #tpu.memory_space<hbm>> -> memref<512x64xf32, #tpu.memory_space<hbm>>
    tpu.wait_dma2 semaphore(%arg12 : memref<!tpu.dma_semaphore, #tpu.memory_space<semaphore_mem>>) src(%arg7 : memref<512x64xf32, #tpu.memory_space<vmem>>) dst(%dma_wait3A_794 : memref<512x64xf32, #tpu.memory_space<hbm>>)
    %dma_wait3A_795 = arith.constant 0 : i32
    %dma_wait3A_796 = tpu.memref_slice %arg5[%add3A_786, %dma_wait3A_795] : memref<65536x64xf32, #tpu.memory_space<hbm>> -> memref<512x64xf32, #tpu.memory_space<hbm>>
    %dma_wait3A_797 = arith.constant 0 : i32
    %dma_wait3A_798 = tpu.memref_slice %arg5[%add3A_786, %dma_wait3A_797] : memref<65536x64xf32, #tpu.memory_space<hbm>> -> memref<512x64xf32, #tpu.memory_space<hbm>>
    tpu.wait_dma2 semaphore(%arg13 : memref<!tpu.dma_semaphore, #tpu.memory_space<semaphore_mem>>) src(%arg8 : memref<512x64xf32, #tpu.memory_space<vmem>>) dst(%dma_wait3A_798 : memref<512x64xf32, #tpu.memory_space<hbm>>)
    return
  }
}

</mosaic_0001>

<sc_bundles>
// kernel: kernel.3.cloned.1.call-start
scs
__scs_entry_jumppad:
0x0: {  	(pc) =	sbr.rel $0x88, $3  }
0x1: {  	(tag) =	ssettag $0x0;
	lr =	simm.s32 $0x1  }
0x2: {  	[smem:$0x3F9E] =	sst lr;
	_ =	strace $0xD0000000  }
0x3: {  	_ = 	snop  }
0x4: {  	_ = 	snop  }
0x5: {  	_ = 	snop  }
0x6: {  	_ = 	snop  }
0x7: {  	_ = 	snop  }
__scs_overlays_trampoline_lowered:
0x8: {  	[smem:$0x3FAD] =	sst s0  }
0x9: {  	[smem:$0x3FAE] =	sst s1  }
0xa: {  	[smem:$0x3FAF] =	sst s2  }
0xb: {  	[smem:$0x3FB0] =	sst s3  }
0xc: {  	[smem:$0x3FB1] =	sst s4  }
0xd: {  	[smem:$0x3FB2] =	sst s5  }
0xe: {  	[smem:$0x3FB3] =	sst s6  }
0xf: {  	[smem:$0x3FB4] =	sst s7  }
0x10: {  	[smem:$0x3FB5] =	sst s8  }
0x11: {  	[smem:$0x3FB6] =	sst s9;
	s0 =	simm.s32 @!p0 $0x0  }
0x12: {  	s1 =	sld [smem:$0x3F9C];
	s0 =	simm.s32 @p0 $0x1  }
0x13: {  	[smem:$0x3FB7] =	sst s0;
	s0 =	simm.s32 @!p1 $0x0  }
0x14: {  	s2 =	sld [smem:$0x3F9B];
	s0 =	simm.s32 @p1 $0x1  }
0x15: {  	[smem:$0x3FB8] =	sst s0;
	s0 =	simm.s32 @!p2 $0x0  }
0x16: {  	s3 =	sld [smem:$0x3FDB];
	s0 =	simm.s32 @p2 $0x1  }
0x17: {  	s4 =	simm.s32 $0x1BF5;
	[smem:$0x3FBA] =	sst s0  }
0x18: {  	s0 =	sld [smem:$0x3F9D];
	_ =	swait.ge [sflag:s4], $0x0  }
0x19: {  	s7 =	sld [smem:$0x3F9E]  }
0x1a: {  	s8 =	sadd.s32 $0xFFFFE003, lr  }
0x1b: {  	s9 =	sadd.s32 $0xFFFFFEF7, lr;
	s5 =	simm.s32 $0xFFFFFFFF;
	p2 =	slt.u32 s8, $0xFFFFF086  }
0x1c: {  	p1 =	slt.u32 s9, $0xF7A;
	s5 =	simm.s32 @!p2 $0x0  }
0x1d: {  	s5 =	simm.s32 @p1 $0x1;
	p0 =	seq.s32 s7, s2  }
0x1e: {  	s7 =	smul.u32 @!p0 $0xF7A, s2;
	p2 =	seq.s32 @!p0 s5, $0x0  }
0x1f: {  	s9 =	smul.u32 $0xF7A, s1;
	s8 =	simm.s32 @!p0 $0x1BF5;
	p2 =	por !p2, p0  }
0x20: {  	[sflag:s8] =	ssyncset.s32 @!p0 $0xFFFFF086;
	s6 =	sadd.s32 @!p0 s3, s7;
	s7 =	simm.s32 @!p0 $0x108  }
0x21: {  	s3 =	sadd.s32 s3, s9;
	s6 =	sadd.s32 @!p0 $0x88, s6;
	s7 =	simm.s32 @p2 $0x1082  }
0x22: {  	[simem:s7], [sflag:s8] =	dma.local @!p0 [hbm:s6], $0xF7A  }
0x23: {  	s9 =	sor.u32 $0xD0000000, s2;
	s6 =	simm.s32 $0x108;
	_ =	swait.ge @!p0 [sflag:s8], $0x0  }
0x24: {  	s3 =	sadd.s32 $0x88, s3;
	s6 =	simm.s32 @!p1 $0x1082;
	[sflag:s4] =	ssyncset.s32 $0xFFFFF086  }
0x25: {  	[simem:s6], [sflag:s4] =	dma.local [hbm:s3], $0xF7A  }
0x26: {  	[smem:$0x3F9E] =	sst s1;
	(tag) =	ssettag s2;
	_ =	strace s9  }
0x27: {  	s1 =	sld [smem:$0x3FAE]  }
0x28: {  	s2 =	sld [smem:$0x3FAF]  }
0x29: {  	s4 =	sld [smem:$0x3FB1]  }
0x2a: {  	p0 =	seq.s32 s5, $0x0;
	s5 =	sld [smem:$0x3FB2]  }
0x2b: {  	s6 =	sld [smem:$0x3FB3]  }
0x2c: {  	s7 =	sld [smem:$0x3FB4]  }
0x2d: {  	s3 =	simm.s32 $0x108;
	s8 =	sld [smem:$0x3FB5]  }
0x2e: {  	s3 =	simm.s32 @!p0 $0x1082;
	s9 =	sld [smem:$0x3FB6]  }
0x2f: {  	lr =	sadd.s32 s0, s3;
	s0 =	sld [smem:$0x3FAD]  }
0x30: {  	s3 =	sld [smem:$0x3FB0]  }
0x31: {  	[smem:$0x3FB9] =	sst s10  }
0x32: {  	s10 =	sld [smem:$0x3FB7];
	_ =	sdelay $0x3  }
0x33: {  	p0 =	seq.s32 s10, $0x1;
	s10 =	sld [smem:$0x3FB9];
	_ =	sdelay $0x3  }
0x34: {  	[smem:$0x3FB9] =	sst s10  }
0x35: {  	s10 =	sld [smem:$0x3FB8];
	_ =	sdelay $0x3  }
0x36: {  	p1 =	seq.s32 s10, $0x1;
	s10 =	sld [smem:$0x3FB9];
	_ =	sdelay $0x3  }
0x37: {  	[smem:$0x3FB9] =	sst s10  }
0x38: {  	s10 =	sld [smem:$0x3FBA]  }
0x39: {  	_ = 	snop;
	(pc) =	sbr.ind lr, $3  }
0x3a: {  	_ = 	snop  }
0x3b: {  	_ = 	snop  }
0x3c: {  	p2 =	seq.s32 s10, $0x1;
	s10 =	sld [smem:$0x3FB9]  }
0x3d: {  	_ =	shalt  }
0x3e: {  	_ =	shalt  }
0x3f: {  	_ =	shalt  }
0x40: {  	_ =	shalt  }
0x41: {  	_ =	shalt  }
0x42: {  	_ =	shalt  }
0x43: {  	_ =	shalt  }
0x44: {  	_ =	shalt  }
0x45: {  	_ =	shalt  }
0x46: {  	_ =	shalt  }
0x47: {  	_ =	shalt  }
0x48: {  	_ =	shalt  }
0x49: {  	_ =	shalt  }
0x4a: {  	_ =	shalt  }
0x4b: {  	_ =	shalt  }
0x4c: {  	_ =	shalt  }
0x4d: {  	_ =	shalt  }
0x4e: {  	_ =	shalt  }
0x4f: {  	_ =	shalt  }
0x50: {  	_ =	shalt  }
0x51: {  	_ =	shalt  }
0x52: {  	_ =	shalt  }
0x53: {  	_ =	shalt  }
0x54: {  	_ =	shalt  }
0x55: {  	_ =	shalt  }
0x56: {  	_ =	shalt  }
0x57: {  	_ =	shalt  }
0x58: {  	_ =	shalt  }
0x59: {  	_ =	shalt  }
0x5a: {  	_ =	shalt  }
0x5b: {  	_ =	shalt  }
0x5c: {  	_ =	shalt  }
0x5d: {  	_ =	shalt  }
0x5e: {  	_ =	shalt  }
0x5f: {  	_ =	shalt  }
0x60: {  	_ =	shalt  }
0x61: {  	_ =	shalt  }
0x62: {  	_ =	shalt  }
0x63: {  	_ =	shalt  }
0x64: {  	_ =	shalt  }
0x65: {  	_ =	shalt  }
0x66: {  	_ =	shalt  }
0x67: {  	_ =	shalt  }
0x68: {  	_ =	shalt  }
0x69: {  	_ =	shalt  }
0x6a: {  	_ =	shalt  }
0x6b: {  	_ =	shalt  }
0x6c: {  	_ =	shalt  }
0x6d: {  	_ =	shalt  }
0x6e: {  	_ =	shalt  }
0x6f: {  	_ =	shalt  }
0x70: {  	_ =	shalt  }
0x71: {  	_ =	shalt  }
0x72: {  	_ =	shalt  }
0x73: {  	_ =	shalt  }
0x74: {  	_ =	shalt  }
0x75: {  	_ =	shalt  }
0x76: {  	_ =	shalt  }
0x77: {  	_ =	shalt  }
0x78: {  	_ =	shalt  }
0x79: {  	_ =	shalt  }
0x7a: {  	_ =	shalt  }
0x7b: {  	_ =	shalt  }
0x7c: {  	_ =	shalt  }
0x7d: {  	_ =	shalt  }
0x7e: {  	_ =	shalt  }
0x7f: {  	_ =	shalt  }
0x80: {  	_ =	shalt  }
0x81: {  	_ =	shalt  }
0x82: {  	_ =	shalt  }
0x83: {  	_ =	shalt  }
0x84: {  	_ =	shalt  }
0x85: {  	_ =	shalt  }
0x86: {  	_ =	shalt  }
0x87: {  	_ =	shalt  }
.Lfunc_end0:
.L_simem_size_0:
called_computation_lowered:
.L_overlay_start_0:
0x88: {  	s2 =	sld [smem:$0x3FD9]  }
0x89: {  	s3 =	sld [smem:$0x3FFE];
	_ =	sdelay $0x1  }
0x8a: {  	s1 =	srdreg.scid  }
0x8b: {  	s0 =	sand.u32 $0x1, s1  }
0x8c: {  	s17 =	sshll.u32 s0, $0xA;
	s2 =	sadd.s32 s3, s2  }
0x8d: {  	s2 =	sadd.s32 s2, s17  }
0x8e: {  	[smem:$0x3FC5] =	sst s2  }
0x8f: {  	_ = 	snop  }
0x90: {  	s2 =	sld [smem:$0x3FD0];
	(tm) =	ssettm $0x1  }
0x91: {  	s18 =	sld [smem:$0x3FFB];
	_ =	sdelay $0x3  }
0x92: {  	_ =	strace s18  }
0x93: {  	s3 =	sld [smem:$0x3FFC];
	_ =	sdelay $0x3  }
0x94: {  	_ =	strace s3  }
0x95: {  	s3 =	sld [smem:$0x3FFD];
	_ =	sdelay $0x3  }
0x96: {  	_ =	strace s3  }
0x97: {  	_ =	strace $0x8FFFFFFF  }
0x98: {  	s19 =	sld [smem:$0x3FDB];
	_ =	sdelay $0x1  }
0x99: {  	s4 =	simm.s32 $_scs_section_size  }
0x9a: {  	s5 =	simm.s32 $_size__tile_overlayer_lowered;
	s6 =	simm.s32 $_tile_overlayer_lowered  }
0x9b: {  	s22 =	simm.s32 $0x1BFF;
	s21 =	sshll.u32 s6, $0x1;
	s3 =	sadd.s32 s4, s19  }
0x9c: {  	s7 =	simm.s32 $0x0;
	s20 =	sshll.u32 s5, $0x1;
	s5 =	sadd.s32 s21, s3  }
0x9d: {  	[timem:s7], [sflag:s22] =	dma.local [hbm:s5], s20  }
0x9e: {  	_ =	swait.ge [sflag:s22], s20  }
0x9f: {  	s4 =	ssub.s32 $0x0, s20;
	[sflag:s22] =	ssyncset.done $0x0  }
0xa0: {  	[sflag:s22] =	ssyncadd.s32 s4;
	_ =	sdelay $0x1  }
0xa1: {  	s23 =	simm.s32 $0x1B8B  }
0xa2: {  	_ =	swait.ge [sflag:s23], $0x1  }
0xa3: {  	[sflag:s23] =	ssyncset.done $0x0  }
0xa4: {  	s25 =	simm.s32 $0x1B8E;
	s24 =	sld [smem:$0x3FFE];
	[sflag:s23] =	ssyncadd.s32 $0xFFFFFFFF  }
0xa5: {  	s26 =	simm.s32 $execute0_lowered;
	[smem:$0x3FD2] =	sst s25  }
0xa6: {  	s5 =	sshll.u32 s26, $0x1;
	_ =	strace $0x80000046;
	[dreg:$0x1] =	wrdreg $0xFFFFFFFF  }
0xa7: {  	s28 =	simm.s32 $_size_execute0_lowered;
	s3 =	sadd.s32 s3, s5;
	[dreg:$0x0] =	wrdreg $0x0  }
0xa8: {  	s5 =	sshll.u32 s28, $0x1;
	[dreg:$0x2] =	wrdreg s3  }
0xa9: {  	[dreg:$0x3] =	wrdreg s5  }
0xaa: {  	[dreg:$0x4] =	wrdreg $0xC0  }
0xab: {  	_ =	task [dreg:s7], $0x5FFFF  }
0xac: {  	[dreg:$0x1] =	wrdreg $0xFFFFFFFF  }
0xad: {  	[dreg:$0x0] =	wrdreg $0x60  }
0xae: {  	[dreg:$0x2] =	wrdreg s24  }
0xaf: {  	[dreg:$0x3] =	wrdreg s2  }
0xb0: {  	[dreg:$0x4] =	wrdreg $0x9  }
0xb1: {  	_ =	task.clear_ibuf [dreg:s7], $0x5FFFF;
	_ =	strace $0x90000046  }
0xb2: {  	s29 =	simm.s32 $0x9;
	_ =	strace $0x80000048  }
0xb3: {  	_ =	swait.ge [sflag:s29], $0x1  }
0xb4: {  	[sflag:s29] =	ssyncadd.s32 $0xFFFFFFFF  }
0xb5: {  	_ =	strace $0x90000048  }
0xb6: {  	_ =	sfence  }
0xb7: {  	s30 =	sld [smem:$0x0];
	_ =	sdelay $0x2  }
0xb8: {  	s31 =	sshll.u32 s1, $0xD;
	s1 =	sshrl.u32 s1, $0x2  }
0xb9: {  	s3 =	sand.u32 $0x4000, s31;
	s1 =	sadd.s32 s1, s30  }
0xba: {  	s0 =	sor.u32 s3, s0;
	s1 =	sshll.u32 s1, $0x11  }
0xbb: {  	s0 =	sor.u32 s1, s0  }
0xbc: {  	s0 =	sadd.s32 $0x8F2B, s0  }
0xbd: {  	[sflag:s0] =	ssyncadd.remote.s32 $0x1  }
0xbe: {  	_ =	sfence.sel $0xFFFF  }
0xbf: {  	[dreg:$0x0] =	wrdreg $0xFFFFFFFF;
	(pc) =	sbr.abs _section_cstart, $3  }
0xc0: {  	[dreg:$0x1] =	wrdreg $0xFFFFFFFF  }
0xc1: {  	_ =	task.clear_ibuf [dreg:s7], $0x2FFFF;
	_ =	strace $0x9FFFFFFF  }
0xc2: {  	(tm) =	ssettm $0x7FFFFFFF  }
0xc3: {  	_ =	shalt  }
tec
execute0_lowered:
.L_overlay_start_1:
0x0: {  	(tag) =	ssettag $0x1  }
0x1: {  	s0 =	rddreg [dreg:$0x0]  }
0x2: {  	s3 =	rddreg [dreg:$0x1]  }
0x3: {  	s2 =	srdreg.scid;
	s1 =	stileid.u32  }
0x4: {  	s24 =	simm.s32 $0x10800;
	s25 =	simm.s32 $0x100;
	s8 =	simm.s32 $0x800  }
0x5: {  	s26 =	simm.s32 $0x180;
	s9 =	simm.s32 $0x2800;
	s10 =	simm.s32 $0x4800  }
0x6: {  	s11 =	simm.s32 $0x6800;
	s12 =	simm.s32 $0x1;
	s14 =	simm.s32 $0x8800  }
0x7: {  	s15 =	simm.s32 $0x280;
	s16 =	simm.s32 $0xA800;
	s17 =	simm.s32 $0x300  }
0x8: {  	s18 =	simm.s32 $0xC800;
	s28 =	simm.s32 $0x4;
	s29 =	simm.s32 $0x600  }
0x9: {  	s30 =	simm.s32 $0x680;
	s4 =	sand.u32 $0x1, s2;
	s2 =	simm.s32 $0x0  }
0xa: {  	s31 =	simm.s32 $0x700;
	s7 =	sadd.s32 $0x2800, s0;
	[smem:$0x7FF] =	sst s2  }
0xb: {  	s5 =	sshll.u32 s1, $0xC;
	_ =	strace $0x80000047;
	[dreg:$0x3] =	wrdreg s7  }
0xc: {  	s6 =	sshll.u32 s4, $0xB;
	s19 =	ssub.s32 $0x2, s4;
	[dreg:$0x8] =	wrdreg s24  }
0xd: {  	s4 =	sadd.s32 $0x187200, s0;
	s5 =	sor.u32 s6, s5;
	[dreg:$0x9] =	wrdreg s25  }
0xe: {  	s21 =	sshrl.u32 s19, $0x1;
	s7 =	simm.s32 $0x80;
	[dreg:$0xa] =	wrdreg s26  }
0xf: {  	s24 =	simm.s32 $0x480;
	s25 =	simm.s32 $0x500;
	s6 =	sshrl.u32 s5, $0x3  }
0x10: {  	s26 =	simm.s32 $0x580;
	s5 =	sshll.u32 s5, $0x3;
	s6 =	sadd.s32 s6, s0  }
0x11: {  	s23 =	ssub.s32 s19, s21;
	s3 =	sadd.s32 s3, s5;
	s6 =	sadd.s32 $0x800, s6  }
0x12: {  	s19 =	simm.s32 $0x380;
	s5 =	sadd.s32 $0x1000, s3;
	[dreg:$0x4] =	wrdreg s6  }
0x13: {  	s21 =	simm.s32 $0x2;
	s20 =	sadd.s32 $0x2000, s3;
	[dreg:$0x5] =	wrdreg s5  }
0x14: {  	s0 =	simm.s32 $0x780;
	s22 =	sadd.s32 $0x3000, s3;
	[dreg:$0x6] =	wrdreg s20  }
0x15: {  	[dreg:$0x7] =	wrdreg s22;
	s5 =	smax.u32 s23, $0x1;
	s6 =	simm.s32 $0x5  }
0x16: {  	s20 =	simm.s32 $0xE800;
	s22 =	simm.s32 $0x3;
	s23 =	simm.s32 $0x400  }
.LBB2_1:
0x17: {  	s1 =	rddreg [dreg:$0x4]  }
0x18: {  	[tilespmem:s2], [sflag:$0x5] =	stream.linear.gather [hbm4b:s1+s2], $0x800, $0x38;
	[tilespmem:$0x10A80] =	vst v63  }
0x19: {  	_ =	swait.ge [sflag:s6], $0x800  }
0x1a: {  	s1 =	rddreg [dreg:$0x3];
	[sflag:s6] =	ssyncset.done $0x0  }
0x1b: {  	s13 =	rddreg [dreg:$0x8];
	[sflag:s6] =	ssyncadd.s32 $0xFFFFF800  }
0x1c: {  	[tilespmem:s13], [sflag:$0x5] =	stream.linear.gather [hbm4b:s1+s2], $0x280, $0x38;
	[tilespmem:$0x10A80] =	vst v63  }
0x1d: {  	_ =	swait.ge [sflag:s6], $0x280  }
0x1e: {  	[sflag:s6] =	ssyncset.done $0x0  }
0x1f: {  	[sflag:s6] =	ssyncadd.s32 $0xFFFFFD80  }
0x20: {  	[tilespmem:s8], [sflag:$0x1] =	stream.indirect.gather [hbm4b:s4+s7], $0x40, s2, s7, $0xb8;
	[tilespmem:$0x10A80] =	vst v63  }
0x21: {  	_ = 	snop  }
0x22: {  	[tilespmem:s9], [sflag:$0x1] =	stream.indirect.gather [hbm4b:s4+s7], $0x40, s7, s7, $0xb8;
	[tilespmem:$0x10A80] =	vst v63  }
0x23: {  	s1 =	rddreg [dreg:$0x9]  }
0x24: {  	[tilespmem:s10], [sflag:$0x1] =	stream.indirect.gather [hbm4b:s4+s7], $0x40, s1, s7, $0xb8;
	[tilespmem:$0x10A80] =	vst v63  }
0x25: {  	s13 =	rddreg [dreg:$0xa]  }
0x26: {  	[tilespmem:s11], [sflag:$0x1] =	stream.indirect.gather [hbm4b:s4+s7], $0x40, s13, s7, $0xb8;
	[tilespmem:$0x10A80] =	vst v63  }
0x27: {  	_ =	swait.ge [sflag:s12], $0x2000  }
0x28: {  	[sflag:s12] =	ssyncset.done $0x0  }
0x29: {  	[sflag:s12] =	ssyncadd.s32 $0xFFFFE000  }
0x2a: {  	_ =	swait.ge [sflag:s12], $0x2000  }
0x2b: {  	[sflag:s12] =	ssyncset.done $0x0  }
0x2c: {  	[sflag:s12] =	ssyncadd.s32 $0xFFFFE000  }
0x2d: {  	_ =	swait.ge [sflag:s12], $0x2000  }
0x2e: {  	[sflag:s12] =	ssyncset.done $0x0  }
0x2f: {  	[sflag:s12] =	ssyncadd.s32 $0xFFFFE000  }
0x30: {  	_ =	swait.ge [sflag:s12], $0x2000  }
0x31: {  	[sflag:s12] =	ssyncset.done $0x0  }
0x32: {  	s13 =	simm.s32 $0x200;
	[sflag:s12] =	ssyncadd.s32 $0xFFFFE000  }
0x33: {  	[tilespmem:s14], [sflag:$0x2] =	stream.indirect.gather [hbm4b:s4+s7], $0x40, s13, s7, $0xb8;
	[tilespmem:$0x10A80] =	vst v63  }
0x34: {  	_ = 	snop  }
0x35: {  	[tilespmem:s16], [sflag:$0x2] =	stream.indirect.gather [hbm4b:s4+s7], $0x40, s15, s7, $0xb8;
	[tilespmem:$0x10A80] =	vst v63  }
0x36: {  	_ = 	snop  }
0x37: {  	[tilespmem:s18], [sflag:$0x2] =	stream.indirect.gather [hbm4b:s4+s7], $0x40, s17, s7, $0xb8;
	[tilespmem:$0x10A80] =	vst v63  }
0x38: {  	_ = 	snop  }
0x39: {  	[tilespmem:s20], [sflag:$0x2] =	stream.indirect.gather [hbm4b:s4+s7], $0x40, s19, s7, $0xb8;
	[tilespmem:$0x10A80] =	vst v63  }
0x3a: {  	v0 =	vld [tilespmem:$0x10800]  }
0x3b: {  	v1 =	vld [tilespmem:$0x10810]  }
0x3c: {  	v2 =	vld [tilespmem:$0x10820]  }
0x3d: {  	v3 =	vld [tilespmem:$0x10830]  }
0x3e: {  	v4 =	vld [tilespmem:$0x10840]  }
0x3f: {  	v29 =	vld [tilespmem:$0x10850];
	[tilespmem:$0x800] =	vst v0  }
0x40: {  	v30 =	vld [tilespmem:$0x10860];
	[tilespmem:$0x810] =	vst v1  }
0x41: {  	v31 =	vld [tilespmem:$0x10870];
	[tilespmem:$0x820] =	vst v2  }
0x42: {  	v32 =	vld [tilespmem:$0x10880];
	[tilespmem:$0x830] =	vst v3  }
0x43: {  	v33 =	vld [tilespmem:$0x10890];
	[tilespmem:$0x840] =	vst v4  }
0x44: {  	v34 =	vld [tilespmem:$0x108A0];
	[tilespmem:$0x850] =	vst v29  }
0x45: {  	v35 =	vld [tilespmem:$0x108B0];
	[tilespmem:$0x860] =	vst v30  }
0x46: {  	v36 =	vld [tilespmem:$0x108C0];
	[tilespmem:$0x870] =	vst v31  }
0x47: {  	v37 =	vld [tilespmem:$0x108D0];
	[tilespmem:$0x880] =	vst v32  }
0x48: {  	v38 =	vld [tilespmem:$0x108E0];
	[tilespmem:$0x890] =	vst v33  }
0x49: {  	v39 =	vld [tilespmem:$0x108F0];
	[tilespmem:$0x8A0] =	vst v34  }
0x4a: {  	v40 =	vld [tilespmem:$0x10900];
	[tilespmem:$0x8B0] =	vst v35  }
0x4b: {  	v41 =	vld [tilespmem:$0x10910];
	[tilespmem:$0x8C0] =	vst v36  }
0x4c: {  	v42 =	vld [tilespmem:$0x10920];
	[tilespmem:$0x8D0] =	vst v37  }
0x4d: {  	v43 =	vld [tilespmem:$0x10930];
	[tilespmem:$0x8E0] =	vst v38  }
0x4e: {  	v44 =	vld [tilespmem:$0x10940];
	[tilespmem:$0x8F0] =	vst v39  }
0x4f: {  	v45 =	vld [tilespmem:$0x10950];
	[tilespmem:$0x900] =	vst v40  }
0x50: {  	v46 =	vld [tilespmem:$0x10960];
	[tilespmem:$0x910] =	vst v41  }
0x51: {  	v47 =	vld [tilespmem:$0x10970];
	[tilespmem:$0x920] =	vst v42  }
0x52: {  	v48 =	vld [tilespmem:$0x10980];
	[tilespmem:$0x930] =	vst v43  }
0x53: {  	v49 =	vld [tilespmem:$0x10990];
	[tilespmem:$0x940] =	vst v44  }
0x54: {  	v50 =	vld [tilespmem:$0x109A0];
	[tilespmem:$0x950] =	vst v45  }
0x55: {  	v51 =	vld [tilespmem:$0x109B0];
	[tilespmem:$0x960] =	vst v46  }
0x56: {  	v52 =	vld [tilespmem:$0x109C0];
	[tilespmem:$0x970] =	vst v47  }
0x57: {  	v53 =	vld [tilespmem:$0x109D0];
	[tilespmem:$0x980] =	vst v48  }
0x58: {  	v54 =	vld [tilespmem:$0x109E0];
	[tilespmem:$0x990] =	vst v49  }
0x59: {  	v55 =	vld [tilespmem:$0x109F0];
	[tilespmem:$0x9A0] =	vst v50  }
0x5a: {  	v56 =	vld [tilespmem:$0x10A00];
	[tilespmem:$0x9B0] =	vst v51  }
0x5b: {  	v57 =	vld [tilespmem:$0x10A10];
	[tilespmem:$0x9C0] =	vst v52  }
0x5c: {  	v58 =	vld [tilespmem:$0x10A20];
	[tilespmem:$0x9D0] =	vst v53  }
0x5d: {  	v59 =	vld [tilespmem:$0x10A30];
	[tilespmem:$0x9E0] =	vst v54  }
0x5e: {  	v60 =	vld [tilespmem:$0x10A40];
	[tilespmem:$0x9F0] =	vst v55  }
0x5f: {  	v61 =	vld [tilespmem:$0x10A50];
	[tilespmem:$0xA00] =	vst v56  }
0x60: {  	v62 =	vld [tilespmem:$0x10A60];
	[tilespmem:$0xA10] =	vst v57  }
0x61: {  	v63 =	vld [tilespmem:$0x10A70];
	[tilespmem:$0xA20] =	vst v58  }
0x62: {  	[tilespmem:$0xA30] =	vst v59  }
0x63: {  	[tilespmem:$0xA40] =	vst v60  }
0x64: {  	[tilespmem:$0xA50] =	vst v61  }
0x65: {  	[tilespmem:$0xA60] =	vst v62  }
0x66: {  	[tilespmem:$0xA70] =	vst v63  }
0x67: {  	[hbm4b:s3+s2] =	stream.linear.scatter [tilespmem:s8], [sflag:$0x3], $0x8000, $0x38;
	[tilespmem:$0x10A80] =	vst v63  }
0x68: {  	_ =	swait.ge [sflag:s21], $0x2000  }
0x69: {  	[sflag:s21] =	ssyncset.done $0x0  }
0x6a: {  	[sflag:s21] =	ssyncadd.s32 $0xFFFFE000  }
0x6b: {  	_ =	swait.ge [sflag:s21], $0x2000  }
0x6c: {  	[sflag:s21] =	ssyncset.done $0x0  }
0x6d: {  	[sflag:s21] =	ssyncadd.s32 $0xFFFFE000  }
0x6e: {  	_ =	swait.ge [sflag:s21], $0x2000  }
0x6f: {  	[sflag:s21] =	ssyncset.done $0x0  }
0x70: {  	[sflag:s21] =	ssyncadd.s32 $0xFFFFE000  }
0x71: {  	_ =	swait.ge [sflag:s21], $0x2000  }
0x72: {  	[sflag:s21] =	ssyncset.done $0x0  }
0x73: {  	[sflag:s21] =	ssyncadd.s32 $0xFFFFE000  }
0x74: {  	_ =	swait.ge [sflag:s22], $0x8000  }
0x75: {  	[sflag:s22] =	ssyncset.done $0x0  }
0x76: {  	[sflag:s22] =	ssyncadd.s32 $0xFFFF8000  }
0x77: {  	[tilespmem:s8], [sflag:$0x1] =	stream.indirect.gather [hbm4b:s4+s7], $0x40, s23, s7, $0xb8;
	[tilespmem:$0x10A80] =	vst v63  }
0x78: {  	_ = 	snop  }
0x79: {  	[tilespmem:s9], [sflag:$0x1] =	stream.indirect.gather [hbm4b:s4+s7], $0x40, s24, s7, $0xb8;
	[tilespmem:$0x10A80] =	vst v63  }
0x7a: {  	_ = 	snop  }
0x7b: {  	[tilespmem:s10], [sflag:$0x1] =	stream.indirect.gather [hbm4b:s4+s7], $0x40, s25, s7, $0xb8;
	[tilespmem:$0x10A80] =	vst v63  }
0x7c: {  	_ = 	snop  }
0x7d: {  	[tilespmem:s11], [sflag:$0x1] =	stream.indirect.gather [hbm4b:s4+s7], $0x40, s26, s7, $0xb8;
	[tilespmem:$0x10A80] =	vst v63  }
0x7e: {  	s13 =	rddreg [dreg:$0x5]  }
0x7f: {  	[hbm4b:s13+s2] =	stream.linear.scatter [tilespmem:s14], [sflag:$0x4], $0x8000, $0x38;
	[tilespmem:$0x10A80] =	vst v63  }
0x80: {  	_ =	swait.ge [sflag:s12], $0x2000  }
0x81: {  	[sflag:s12] =	ssyncset.done $0x0  }
0x82: {  	[sflag:s12] =	ssyncadd.s32 $0xFFFFE000  }
0x83: {  	_ =	swait.ge [sflag:s12], $0x2000  }
0x84: {  	[sflag:s12] =	ssyncset.done $0x0  }
0x85: {  	[sflag:s12] =	ssyncadd.s32 $0xFFFFE000  }
0x86: {  	_ =	swait.ge [sflag:s12], $0x2000  }
0x87: {  	[sflag:s12] =	ssyncset.done $0x0  }
0x88: {  	[sflag:s12] =	ssyncadd.s32 $0xFFFFE000  }
0x89: {  	_ =	swait.ge [sflag:s12], $0x2000  }
0x8a: {  	[sflag:s12] =	ssyncset.done $0x0  }
0x8b: {  	[sflag:s12] =	ssyncadd.s32 $0xFFFFE000  }
0x8c: {  	_ =	swait.ge [sflag:s28], $0x8000  }
0x8d: {  	[sflag:s28] =	ssyncset.done $0x0  }
0x8e: {  	[sflag:s28] =	ssyncadd.s32 $0xFFFF8000  }
0x8f: {  	[tilespmem:s14], [sflag:$0x2] =	stream.indirect.gather [hbm4b:s4+s7], $0x40, s29, s7, $0xb8;
	[tilespmem:$0x10A80] =	vst v63  }
0x90: {  	_ = 	snop  }
0x91: {  	[tilespmem:s16], [sflag:$0x2] =	stream.indirect.gather [hbm4b:s4+s7], $0x40, s30, s7, $0xb8;
	[tilespmem:$0x10A80] =	vst v63  }
0x92: {  	_ = 	snop  }
0x93: {  	[tilespmem:s18], [sflag:$0x2] =	stream.indirect.gather [hbm4b:s4+s7], $0x40, s31, s7, $0xb8;
	[tilespmem:$0x10A80] =	vst v63  }
0x94: {  	_ = 	snop  }
0x95: {  	[tilespmem:s20], [sflag:$0x2] =	stream.indirect.gather [hbm4b:s4+s7], $0x40, s0, s7, $0xb8;
	[tilespmem:$0x10A80] =	vst v63  }
0x96: {  	s13 =	rddreg [dreg:$0x6]  }
0x97: {  	[hbm4b:s13+s2] =	stream.linear.scatter [tilespmem:s8], [sflag:$0x3], $0x8000, $0x38;
	[tilespmem:$0x10A80] =	vst v63  }
0x98: {  	_ =	swait.ge [sflag:s21], $0x2000  }
0x99: {  	[sflag:s21] =	ssyncset.done $0x0  }
0x9a: {  	[sflag:s21] =	ssyncadd.s32 $0xFFFFE000  }
0x9b: {  	_ =	swait.ge [sflag:s21], $0x2000  }
0x9c: {  	[sflag:s21] =	ssyncset.done $0x0  }
0x9d: {  	[sflag:s21] =	ssyncadd.s32 $0xFFFFE000  }
0x9e: {  	_ =	swait.ge [sflag:s21], $0x2000  }
0x9f: {  	[sflag:s21] =	ssyncset.done $0x0  }
0xa0: {  	[sflag:s21] =	ssyncadd.s32 $0xFFFFE000  }
0xa1: {  	_ =	swait.ge [sflag:s21], $0x2000  }
0xa2: {  	[sflag:s21] =	ssyncset.done $0x0  }
0xa3: {  	s13 =	rddreg [dreg:$0x7];
	[sflag:s21] =	ssyncadd.s32 $0xFFFFE000  }
0xa4: {  	[hbm4b:s13+s2] =	stream.linear.scatter [tilespmem:s14], [sflag:$0x4], $0x8000, $0x38;
	[tilespmem:$0x10A80] =	vst v63  }
0xa5: {  	p0 =	sne.s32 s5, $0x1;
	_ =	swait.ge [sflag:s22], $0x8000  }
.Ltmp0:
0xa6: {  	[sflag:s22] =	ssyncset.done $0x0;
	(pc) =	sbr.rel @p0 .LBB2_1-.Ltmp0, $4  }
0xa7: {  	[sflag:s22] =	ssyncadd.s32 $0xFFFF8000  }
0xa8: {  	_ =	swait.ge [sflag:s28], $0x8000  }
0xa9: {  	[sflag:s28] =	ssyncset.done $0x0  }
0xaa: {  	s5 =	sadd.s32 $0xFFFFFFFF, s5;
	[sflag:s28] =	ssyncadd.s32 $0xFFFF8000  }
0xab: {  	_ =	sfence.sel $0x180000  }
0xac: {  	[bflag:$0x0] =	sbarrier.arrive $0xFFFF  }
0xad: {  	_ =	strace $0x90000047  }
0xae: {  	s0 =	stileid.u32;
	[bflag:$0x2] =	sbarrier.arrive $0xFFFF  }
0xaf: {  	p0 =	sne.s32 s0, $0x0;
	s0 =	rddreg [dreg:$0x2]  }
0xb0: {  	s0 =	sadd.s32 @!p0 $0x100000, s0  }
0xb1: {  	[sflag:s0] =	ssyncadd.tile.s32 @!p0 $0x1;
	_ =	shalt  }
.Lfunc_end2:
_tile_overlayer_lowered:
.L_overlay_start_2:
0xb2: {  	(tag) =	ssettag $0x2  }
0xb3: {  	s0 =	rddreg [dreg:$0x0];
	s2 =	stileid.u32  }
0xb4: {  	s1 =	rddreg [dreg:$0x1];
	p0 =	sne.s32 s2, $0x0  }
0xb5: {  	s3 =	rddreg [dreg:$0x2];
	[bflag:$0x3] =	sbarrier.arrive $0xFFFF;
	s2 =	simm.s32 @!p0 $0x1C05  }
0xb6: {  	[timem:s3], [sflag:s2] =	dma.local @!p0 [hbm:s0], s1  }
0xb7: {  	s0 =	simm.s32 @!p0 $0x5  }
0xb8: {  	_ =	swait.ge @!p0 [sflag:s0], s1  }
0xb9: {  	s1 =	ssub.s32 @!p0 $0x0, s1;
	[sflag:s0] =	ssyncset.done @!p0 $0x0  }
0xba: {  	[sflag:s0] =	ssyncadd.s32 @!p0 s1  }
0xbb: {  	[bflag:$0x3] =	sbarrier.arrive $0xFFFF  }
0xbc: {  	_ =	shalt  }

</sc_bundles>
